<compile_context>
chip_gen: v7x
topology: tpu7x:2x2x1
jax: 0.10.2.dev20260603
libtpu: 0.0.44.dev20260713+nightly
codegen_flags: <defaults>
</compile_context>

<pallas_src>
import functools
import math

import jax
import jax.numpy as jnp
from jax.experimental import pallas as pl
from jax.experimental.pallas import tpu as pltpu
from jax.experimental.pallas import tpu_sc as plsc

_B, _T, _H = 4, 8192, 1024
_M = 256
_K = 128
_V = 64
_TB = 512
_INV_SQRT_H = 1.0 / math.sqrt(_H)


def _score_body(enc_ref, ww_ref, bw_ref, ws_ref):
    x = enc_ref[0]
    l = jax.lax.dot_general(x, ww_ref[...], (((1,), (0,)), ((), ())),
                            preferred_element_type=jnp.float32)
    ws_ref[...] = jax.nn.sigmoid(l + bw_ref[0, 0])


def _gates_topk_body(q_ref, wf_ref, bf_ref, wr_ref, br_ref, wq_ref, bq_ref,
                     wk_ref, bk_ref, ws_ref, fs_ref, rs_ref, evict_ref,
                     qkt_ref, qb_ref, idxt_ref, scr_ref):
    q = q_ref[...]
    fl = jax.lax.dot_general(q, wf_ref[...], (((1,), (0,)), ((), ())),
                             preferred_element_type=jnp.float32)
    fs = jax.nn.sigmoid(fl + bf_ref[...])
    fs_ref[...] = fs
    mn = jnp.min(fs, axis=1, keepdims=True)
    miota = jax.lax.broadcasted_iota(jnp.int32, (_B, _M), 1)
    evict_ref[...] = jnp.min(jnp.where(fs == mn, miota, _M), axis=1,
                             keepdims=True)
    rl = jnp.sum(q * wr_ref[...], axis=1, keepdims=True) + br_ref[...]
    rs_ref[...] = jax.nn.sigmoid(rl)
    qq = jax.lax.dot_general(q, wq_ref[...], (((1,), (0,)), ((), ())),
                             preferred_element_type=jnp.float32) + bq_ref[...]
    qkt_ref[...] = jax.lax.dot_general(wk_ref[...], qq, (((1,), (1,)), ((), ())),
                                       preferred_element_type=jnp.float32)
    qb_ref[...] = jnp.sum(qq * bk_ref[...], axis=1, keepdims=True)

    scr_ref[...] = ws_ref[...]
    iota = jax.lax.broadcasted_iota(jnp.int32, (_B, _T), 1)

    def body(i, c):
        s = scr_ref[...]
        m = jnp.max(s, axis=1, keepdims=True)
        idx = jnp.min(jnp.where(s == m, iota, _T), axis=1, keepdims=True)
        idxt_ref[pl.ds(i, 1), :] = idx.reshape(1, _B)
        scr_ref[...] = jnp.where(iota == idx, -1.0, s)
        return c

    jax.lax.fori_loop(0, _K, body, 0)


_NW = 32
_RPW = _B * _K // _NW


def _sc_gather_factory():
    mesh = plsc.VectorSubcoreMesh(core_axis_name="c", subcore_axis_name="s")

    @functools.partial(
        pl.kernel,
        mesh=mesh,
        out_type=jax.ShapeDtypeStruct((_B * _M, _H), jnp.float32),
        scratch_types=[
            pltpu.VMEM((_RPW,), jnp.int32),
            pltpu.VMEM((_RPW,), jnp.int32),
            pltpu.VMEM((_RPW, _H), jnp.float32),
            pltpu.VMEM((_RPW, _H), jnp.float32),
            pltpu.SemaphoreType.DMA,
        ],
    )
    def sc_gather(gidx_hbm, evidx_hbm, zeros_hbm, enc_hbm, out_hbm,
                  idx_v, evidx_v, rows_v, zeros_v, sem):
        wid = jax.lax.axis_index("s") * 2 + jax.lax.axis_index("c")
        b = wid // 8
        dst_base = b * _M + (wid % 8) * _RPW
        zero_base = b * _M + _K + (wid % 8) * _RPW
        pltpu.sync_copy(gidx_hbm.at[pl.ds(wid * _RPW, _RPW)], idx_v)
        pltpu.sync_copy(evidx_hbm.at[wid], evidx_v)
        pltpu.sync_copy(zeros_hbm, zeros_v)
        pltpu.async_copy(enc_hbm.at[idx_v], rows_v, sem).wait()
        pltpu.sync_copy(rows_v, out_hbm.at[pl.ds(dst_base, _RPW)])
        pltpu.sync_copy(zeros_v, out_hbm.at[pl.ds(zero_base, _RPW)])
        pltpu.async_copy(zeros_v, out_hbm.at[evidx_v], sem).wait()

    return sc_gather


def _read_body(mem_ref, qkt_ref, qb_ref, rs_ref, q_ref, wo_ref, bo_ref,
               out_ref):
    for b in range(_B):
        mem_b = mem_ref[b]
        qk_b = qkt_ref[:, pl.ds(b, 1)]
        raw = jax.lax.dot_general(mem_b, qk_b, (((1,), (0,)), ((), ())),
                                  preferred_element_type=jnp.float32)
        raw = (raw + qb_ref[pl.ds(b, 1), :]) * _INV_SQRT_H
        mx = jnp.max(raw, axis=0, keepdims=True)
        e = jnp.exp(raw - mx)
        attn = e / jnp.sum(e, axis=0, keepdims=True)
        retr = jax.lax.dot_general(attn, mem_b, (((0,), (0,)), ((), ())),
                                   preferred_element_type=jnp.float32)
        rs_b = rs_ref[pl.ds(b, 1), :]
        fused = rs_b * retr + (1.0 - rs_b) * q_ref[pl.ds(b, 1), :]
        logit = jax.lax.dot_general(fused, wo_ref[...], (((1,), (0,)), ((), ())),
                                    preferred_element_type=jnp.float32)
        out_ref[pl.ds(b, 1), :] = logit + bo_ref[...]


def kernel(enc_hidden, query_hidden, slot_ages, w_write, b_write, w_read,
           b_read, w_forget, b_forget, w_q, b_q, w_k, b_k, w_out, b_out):
    del slot_ages
    bw = b_write.reshape(1, 1)
    wr_row = w_read.reshape(1, _H)
    br = b_read.reshape(1, 1)
    bf = b_forget.reshape(1, _M)
    bq = b_q.reshape(1, _H)
    bk = b_k.reshape(1, _H)
    bo = b_out.reshape(1, _V)

    ws_col = pl.pallas_call(
        _score_body,
        grid=(_B, _T // _TB),
        in_specs=[
            pl.BlockSpec((1, _TB, _H), lambda b, i: (b, i, 0)),
            pl.BlockSpec((_H, 1), lambda b, i: (0, 0)),
            pl.BlockSpec(memory_space=pltpu.SMEM),
        ],
        out_specs=pl.BlockSpec((_TB, 1),
                               lambda b, i: (b * (_T // _TB) + i, 0)),
        out_shape=jax.ShapeDtypeStruct((_B * _T, 1), jnp.float32),
    )(enc_hidden, w_write, bw)
    write_scores = ws_col.reshape(_B, _T)

    fs, rs, evict, qkt, qb, idxt = pl.pallas_call(
        _gates_topk_body,
        out_shape=[
            jax.ShapeDtypeStruct((_B, _M), jnp.float32),
            jax.ShapeDtypeStruct((_B, 1), jnp.float32),
            jax.ShapeDtypeStruct((_B, 1), jnp.int32),
            jax.ShapeDtypeStruct((_H, _B), jnp.float32),
            jax.ShapeDtypeStruct((_B, 1), jnp.float32),
            jax.ShapeDtypeStruct((_K, _B), jnp.int32),
        ],
        scratch_shapes=[pltpu.VMEM((_B, _T), jnp.float32)],
    )(query_hidden, w_forget, bf, wr_row, br, w_q, bq, w_k, bk, write_scores)
    top_idx = idxt.T

    gidx = (top_idx + jnp.arange(_B, dtype=jnp.int32)[:, None] * _T
            ).reshape(_B * _K)
    w = jnp.arange(_NW, dtype=jnp.int32)
    wb = w // 8
    j0 = (w % 8) * _RPW
    evb = evict.reshape(_B)[wb]
    owns_evict = jnp.logical_and(evb >= j0, evb < j0 + _RPW)
    ev_target = jnp.where(owns_evict, wb * _M + evb, wb * _M + _K + j0)
    evidx = jnp.broadcast_to(ev_target[:, None], (_NW, _RPW))
    zeros_rows = jnp.zeros((_RPW, _H), jnp.float32)
    enc2 = enc_hidden.reshape(_B * _T, _H)

    mem2 = _sc_gather_factory()(gidx, evidx, zeros_rows, enc2)
    memory = mem2.reshape(_B, _M, _H)

    logits = pl.pallas_call(
        _read_body,
        out_shape=jax.ShapeDtypeStruct((_B, _V), jnp.float32),
    )(memory, qkt, qb, rs, query_hidden, w_out, bo)

    return (logits, write_scores, rs, fs, memory)

# --- scband reference (transcript-rebuilt; emitter-appended) ---
"""Pipeline reference for scband-three-gate-memory-35270271435264 (READ-ONLY COPY).

The authoritative reference and input builder live on the scoring server;
editing this copy changes nothing except your own understanding.
"""

import jax, jax.numpy as jnp
import numpy as np

B, T, H = 4, 8192, 1024
M = 256
K_WRITE = 128
VOCAB_SIZE = 64


def setup_inputs(seed: int = 0) -> dict:
    key = jax.random.key(seed)
    ks = jax.random.split(key, 16)
    s = 0.02
    return {
        "enc_hidden": jax.random.normal(ks[0], (B, T, H), dtype=jnp.float32),
        "query_hidden": jax.random.normal(ks[1], (B, H), dtype=jnp.float32),
        "slot_ages": jax.random.randint(ks[2], (B, M), 0, 1000, dtype=jnp.int32),
        "w_write": jax.random.normal(ks[3], (H, 1), dtype=jnp.float32) * s,
        "b_write": jnp.zeros((1,), dtype=jnp.float32),
        "w_read": jax.random.normal(ks[4], (H, 1), dtype=jnp.float32) * s,
        "b_read": jnp.zeros((1,), dtype=jnp.float32),
        "w_forget": jax.random.normal(ks[5], (H, M), dtype=jnp.float32) * s,
        "b_forget": jnp.zeros((M,), dtype=jnp.float32),
        "w_q": jax.random.normal(ks[6], (H, H), dtype=jnp.float32) * s,
        "b_q": jnp.zeros((H,), dtype=jnp.float32),
        "w_k": jax.random.normal(ks[7], (H, H), dtype=jnp.float32) * s,
        "b_k": jnp.zeros((H,), dtype=jnp.float32),
        "w_out": jax.random.normal(ks[8], (H, VOCAB_SIZE), dtype=jnp.float32) * s,
        "b_out": jnp.zeros((VOCAB_SIZE,), dtype=jnp.float32),
    }


def reference(enc_hidden, query_hidden, slot_ages, w_write, b_write, w_read, b_read,
              w_forget, b_forget, w_q, b_q, w_k, b_k, w_out, b_out):
    Bl, Tl, Hl = enc_hidden.shape
    Ml = w_forget.shape[1]
    # write gate: select tokens to store
    write_logits = jnp.squeeze(enc_hidden @ w_write + b_write, -1)  # (B, T)
    write_scores = jax.nn.sigmoid(write_logits)
    k = min(K_WRITE, Ml, Tl)
    _, top_write_idx = jax.lax.top_k(write_scores, k)  # (B, k)
    # forget gate: slot with lowest score is evicted
    forget_scores = jax.nn.sigmoid(query_hidden @ w_forget + b_forget)  # (B, M)
    evict_slot = jnp.argmin(forget_scores, axis=-1)  # (B,)
    # scatter selected tokens into memory (slot = write-order index mod M)
    gathered = enc_hidden[jnp.arange(Bl)[:, None], top_write_idx]  # (B, k, H)
    slots = jnp.arange(k) % Ml  # unique because k <= M
    memory = jnp.zeros((Bl, Ml, Hl), dtype=enc_hidden.dtype)
    memory = memory.at[:, slots].set(gathered)
    # evict lowest-scoring slot per batch element
    memory = memory.at[jnp.arange(Bl), evict_slot].set(0.0)
    # read gate + attention read
    read_score = jax.nn.sigmoid(query_hidden @ w_read + b_read)  # (B, 1)
    q = (query_hidden @ w_q + b_q)[:, None, :]  # (B, 1, H)
    keys = memory @ w_k + b_k  # (B, M, H)
    raw = jnp.squeeze(q @ jnp.swapaxes(keys, 1, 2), 1) / (Hl ** 0.5)  # (B, M)
    attn = jax.nn.softmax(raw, axis=-1)
    retrieved = jnp.squeeze(attn[:, None, :] @ memory, 1)  # (B, H)
    fused = read_score * retrieved + (1.0 - read_score) * query_hidden
    logits = fused @ w_out + b_out  # (B, VOCAB_SIZE)
    return (logits, write_scores, read_score, forget_scores, memory)

if __name__ == "__main__":
    import jax
    _d = setup_inputs()
    print(jax.jit(kernel)(*tuple(_d.values())))

</pallas_src>

<mosaic_0001>
#map = affine_map<(d0, d1) -> (0)>
#map1 = affine_map<(d0, d1) -> (0, 0)>
module attributes {stable_mosaic.version = 14 : i64} {
  func.func @sc_gather(%arg0: i32, %arg1: i32, %arg2: memref<512xi32, #tpu.memory_space<hbm>>, %arg3: memref<32x16xi32, #tpu.memory_space<hbm>>, %arg4: memref<16x1024xf32, #tpu.memory_space<hbm>>, %arg5: memref<32768x1024xf32, #tpu.memory_space<hbm>>, %arg6: memref<1024x1024xf32, #tpu.memory_space<hbm>>, %arg7: memref<16xi32, #tpu.memory_space<vmem>>, %arg8: memref<16xi32, #tpu.memory_space<vmem>>, %arg9: memref<16x1024xf32, #tpu.memory_space<vmem>>, %arg10: memref<16x1024xf32, #tpu.memory_space<vmem>>, %arg11: memref<!tpu.dma_semaphore, #tpu.memory_space<semaphore_mem>>) attributes {dimension_semantics = [#tpu.dimension_semantics<core_parallel>, #tpu.dimension_semantics<subcore_parallel>], iteration_bounds = array<i64: 2, 16>, scalar_prefetch = 0 : i64, scratch_operands = 5 : i64, tpu.core_type = #tpu.core_type<sc_vector_subcore>, window_params = [{transform_indices = #map}, {transform_indices = #map1}, {transform_indices = #map1}, {transform_indices = #map1}, {transform_indices = #map1}]} {
    %mul3A = arith.constant 2 : i32
    %mul3A_0 = arith.muli %arg1, %mul3A : i32
    %add3A = arith.addi %mul3A_0, %arg0 : i32
    %jit3A = arith.constant 8 : i32
    %div3A = arith.divsi %add3A, %jit3A : i32
    %sign3A = arith.constant 0 : i32
    %sign3A_1 = arith.cmpi sgt, %add3A, %sign3A : i32
    %sign3A_2 = arith.extui %sign3A_1 : i1 to i32
    %sign3A_3 = arith.constant 0 : i32
    %sign3A_4 = arith.cmpi slt, %add3A, %sign3A_3 : i32
    %sign3A_5 = arith.extui %sign3A_4 : i1 to i32
    %sign3A_6 = arith.subi %sign3A_2, %sign3A_5 : i32
    %sign3A_7 = arith.constant 0 : i32
    %sign3A_8 = arith.cmpi sgt, %jit3A, %sign3A_7 : i32
    %sign3A_9 = arith.extui %sign3A_8 : i1 to i32
    %sign3A_10 = arith.constant 0 : i32
    %sign3A_11 = arith.cmpi slt, %jit3A, %sign3A_10 : i32
    %sign3A_12 = arith.extui %sign3A_11 : i1 to i32
    %sign3A_13 = arith.subi %sign3A_9, %sign3A_12 : i32
    %ne3A = arith.cmpi ne, %sign3A_6, %sign3A_13 : i32
    %rem3A = arith.remsi %add3A, %jit3A : i32
    %ne3A_14 = arith.constant 0 : i32
    %ne3A_15 = arith.cmpi ne, %rem3A, %ne3A_14 : i32
    %and3A = arith.andi %ne3A, %ne3A_15 : i1
    %sub3A = arith.constant 1 : i32
    %sub3A_16 = arith.subi %div3A, %sub3A : i32
    %select_n3A = arith.select %and3A, %sub3A_16, %div3A : i32
    %mul3A_17 = arith.constant 256 : i32
    %mul3A_18 = arith.muli %select_n3A, %mul3A_17 : i32
    %jit3A_19 = arith.constant 8 : i32
    %eq3A = arith.constant 0 : i32
    %eq3A_20 = arith.cmpi eq, %jit3A_19, %eq3A : i32
    %jit3A_21 = arith.constant 1 : i32
    %select_n3A_22 = arith.select %eq3A_20, %jit3A_21, %jit3A_19 : i32
    %rem3A_23 = arith.remsi %add3A, %select_n3A_22 : i32
    %ne3A_24 = arith.constant 0 : i32
    %ne3A_25 = arith.cmpi ne, %rem3A_23, %ne3A_24 : i32
    %lt3A = arith.constant 0 : i32
    %lt3A_26 = arith.cmpi slt, %rem3A_23, %lt3A : i32
    %lt3A_27 = arith.constant 0 : i32
    %lt3A_28 = arith.cmpi slt, %select_n3A_22, %lt3A_27 : i32
    %ne3A_29 = arith.xori %lt3A_26, %lt3A_28 : i1
    %and3A_30 = arith.andi %ne3A_29, %ne3A_25 : i1
    %add3A_31 = arith.addi %rem3A_23, %select_n3A_22 : i32
    %select_n3A_32 = arith.select %and3A_30, %add3A_31, %rem3A_23 : i32
    %mul3A_33 = arith.constant 16 : i32
    %mul3A_34 = arith.muli %select_n3A_32, %mul3A_33 : i32
    %add3A_35 = arith.addi %mul3A_18, %mul3A_34 : i32
    %mul3A_36 = arith.constant 256 : i32
    %mul3A_37 = arith.muli %select_n3A, %mul3A_36 : i32
    %add3A_38 = arith.constant 128 : i32
    %add3A_39 = arith.addi %mul3A_37, %add3A_38 : i32
    %jit3A_40 = arith.constant 8 : i32
    %eq3A_41 = arith.constant 0 : i32
    %eq3A_42 = arith.cmpi eq, %jit3A_40, %eq3A_41 : i32
    %jit3A_43 = arith.constant 1 : i32
    %select_n3A_44 = arith.select %eq3A_42, %jit3A_43, %jit3A_40 : i32
    %rem3A_45 = arith.remsi %add3A, %select_n3A_44 : i32
    %ne3A_46 = arith.constant 0 : i32
    %ne3A_47 = arith.cmpi ne, %rem3A_45, %ne3A_46 : i32
    %lt3A_48 = arith.constant 0 : i32
    %lt3A_49 = arith.cmpi slt, %rem3A_45, %lt3A_48 : i32
    %lt3A_50 = arith.constant 0 : i32
    %lt3A_51 = arith.cmpi slt, %select_n3A_44, %lt3A_50 : i32
    %ne3A_52 = arith.xori %lt3A_49, %lt3A_51 : i1
    %and3A_53 = arith.andi %ne3A_52, %ne3A_47 : i1
    %add3A_54 = arith.addi %rem3A_45, %select_n3A_44 : i32
    %select_n3A_55 = arith.select %and3A_53, %add3A_54, %rem3A_45 : i32
    %mul3A_56 = arith.constant 16 : i32
    %mul3A_57 = arith.muli %select_n3A_55, %mul3A_56 : i32
    %add3A_58 = arith.addi %add3A_39, %mul3A_57 : i32
    %mul3A_59 = arith.constant 16 : i32
    %mul3A_60 = arith.muli %add3A, %mul3A_59 : i32
    "tpu.region"() ({
      %run_scoped3A = tpu.sem_alloc : memref<!tpu.dma_semaphore, #tpu.memory_space<semaphore_mem>>
      %dma_start3A_71 = tpu.memref_slice %arg2[%mul3A_60] : memref<512xi32, #tpu.memory_space<hbm>> -> memref<16xi32, #tpu.memory_space<hbm>>
      %dma_start3A_72 = tpu.memref_slice %arg2[%mul3A_60] : memref<512xi32, #tpu.memory_space<hbm>> -> memref<16xi32, #tpu.memory_space<hbm>>
      tpu.enqueue_dma source(%dma_start3A_72 : memref<16xi32, #tpu.memory_space<hbm>>) target(%arg7 : memref<16xi32, #tpu.memory_space<vmem>>) target_semaphore(%run_scoped3A : memref<!tpu.dma_semaphore, #tpu.memory_space<semaphore_mem>>)
      %dma_wait3A_73 = tpu.memref_slice %arg2[%mul3A_60] : memref<512xi32, #tpu.memory_space<hbm>> -> memref<16xi32, #tpu.memory_space<hbm>>
      %dma_wait3A_74 = tpu.memref_slice %arg2[%mul3A_60] : memref<512xi32, #tpu.memory_space<hbm>> -> memref<16xi32, #tpu.memory_space<hbm>>
      tpu.wait_dma2 semaphore(%run_scoped3A : memref<!tpu.dma_semaphore, #tpu.memory_space<semaphore_mem>>) src(%dma_wait3A_74 : memref<16xi32, #tpu.memory_space<hbm>>) dst(%arg7 : memref<16xi32, #tpu.memory_space<vmem>>)
      tpu.yield
    }) : () -> ()
    "tpu.region"() ({
      %run_scoped3A = tpu.sem_alloc : memref<!tpu.dma_semaphore, #tpu.memory_space<semaphore_mem>>
      %dma_start3A_71 = arith.constant 0 : i32
      %dma_start3A_72 = tpu.memref_slice %arg3[%add3A, %dma_start3A_71] : memref<32x16xi32, #tpu.memory_space<hbm>> -> memref<1x16xi32, #tpu.memory_space<hbm>>
      %dma_start3A_73 = tpu.memref_squeeze %dma_start3A_72 : memref<1x16xi32, #tpu.memory_space<hbm>> -> memref<16xi32, #tpu.memory_space<hbm>>
      %dma_start3A_74 = arith.constant 0 : i32
      %dma_start3A_75 = tpu.memref_slice %arg3[%add3A, %dma_start3A_74] : memref<32x16xi32, #tpu.memory_space<hbm>> -> memref<1x16xi32, #tpu.memory_space<hbm>>
      %dma_start3A_76 = tpu.memref_squeeze %dma_start3A_75 : memref<1x16xi32, #tpu.memory_space<hbm>> -> memref<16xi32, #tpu.memory_space<hbm>>
      tpu.enqueue_dma source(%dma_start3A_76 : memref<16xi32, #tpu.memory_space<hbm>>) target(%arg8 : memref<16xi32, #tpu.memory_space<vmem>>) target_semaphore(%run_scoped3A : memref<!tpu.dma_semaphore, #tpu.memory_space<semaphore_mem>>)
      %dma_wait3A_77 = arith.constant 0 : i32
      %dma_wait3A_78 = tpu.memref_slice %arg3[%add3A, %dma_wait3A_77] : memref<32x16xi32, #tpu.memory_space<hbm>> -> memref<1x16xi32, #tpu.memory_space<hbm>>
      %dma_wait3A_79 = tpu.memref_squeeze %dma_wait3A_78 : memref<1x16xi32, #tpu.memory_space<hbm>> -> memref<16xi32, #tpu.memory_space<hbm>>
      %dma_wait3A_80 = arith.constant 0 : i32
      %dma_wait3A_81 = tpu.memref_slice %arg3[%add3A, %dma_wait3A_80] : memref<32x16xi32, #tpu.memory_space<hbm>> -> memref<1x16xi32, #tpu.memory_space<hbm>>
      %dma_wait3A_82 = tpu.memref_squeeze %dma_wait3A_81 : memref<1x16xi32, #tpu.memory_space<hbm>> -> memref<16xi32, #tpu.memory_space<hbm>>
      tpu.wait_dma2 semaphore(%run_scoped3A : memref<!tpu.dma_semaphore, #tpu.memory_space<semaphore_mem>>) src(%dma_wait3A_82 : memref<16xi32, #tpu.memory_space<hbm>>) dst(%arg8 : memref<16xi32, #tpu.memory_space<vmem>>)
      tpu.yield
    }) : () -> ()
    "tpu.region"() ({
      %run_scoped3A = tpu.sem_alloc : memref<!tpu.dma_semaphore, #tpu.memory_space<semaphore_mem>>
      tpu.enqueue_dma source(%arg4 : memref<16x1024xf32, #tpu.memory_space<hbm>>) target(%arg10 : memref<16x1024xf32, #tpu.memory_space<vmem>>) target_semaphore(%run_scoped3A : memref<!tpu.dma_semaphore, #tpu.memory_space<semaphore_mem>>)
      tpu.wait_dma2 semaphore(%run_scoped3A : memref<!tpu.dma_semaphore, #tpu.memory_space<semaphore_mem>>) src(%arg4 : memref<16x1024xf32, #tpu.memory_space<hbm>>) dst(%arg10 : memref<16x1024xf32, #tpu.memory_space<vmem>>)
      tpu.yield
    }) : () -> ()
    %dma_start3A = arith.constant 0 : i32
    %dma_start3A_61 = arith.constant 0 : i32
    %dma_start3A_62 = tpu.memref_slice %arg5[%dma_start3A, %dma_start3A_61] : memref<32768x1024xf32, #tpu.memory_space<hbm>> -> memref<32768x1024xf32, #tpu.memory_space<hbm>>
    tpu.enqueue_indirect_dma source(%dma_start3A_62 : memref<32768x1024xf32, #tpu.memory_space<hbm>>) target(%arg9 : memref<16x1024xf32, #tpu.memory_space<vmem>>) offsets(%arg7 : memref<16xi32, #tpu.memory_space<vmem>>) semaphore(%arg11 : memref<!tpu.dma_semaphore, #tpu.memory_space<semaphore_mem>>)
    %dma_wait3A = arith.constant 0 : i32
    %dma_wait3A_63 = arith.constant 0 : i32
    %dma_wait3A_64 = tpu.memref_slice %arg5[%dma_wait3A, %dma_wait3A_63] : memref<32768x1024xf32, #tpu.memory_space<hbm>> -> memref<32768x1024xf32, #tpu.memory_space<hbm>>
    tpu.wait_indirect_dma semaphore(%arg11 : memref<!tpu.dma_semaphore, #tpu.memory_space<semaphore_mem>>) src(%dma_wait3A_64 : memref<32768x1024xf32, #tpu.memory_space<hbm>>) dst(%arg9 : memref<16x1024xf32, #tpu.memory_space<vmem>>)
    "tpu.region"() ({
      %run_scoped3A = tpu.sem_alloc : memref<!tpu.dma_semaphore, #tpu.memory_space<semaphore_mem>>
      %dma_start3A_71 = arith.constant 0 : i32
      %dma_start3A_72 = tpu.memref_slice %arg6[%add3A_35, %dma_start3A_71] : memref<1024x1024xf32, #tpu.memory_space<hbm>> -> memref<16x1024xf32, #tpu.memory_space<hbm>>
      %dma_start3A_73 = arith.constant 0 : i32
      %dma_start3A_74 = tpu.memref_slice %arg6[%add3A_35, %dma_start3A_73] : memref<1024x1024xf32, #tpu.memory_space<hbm>> -> memref<16x1024xf32, #tpu.memory_space<hbm>>
      tpu.enqueue_dma source(%arg9 : memref<16x1024xf32, #tpu.memory_space<vmem>>) target(%dma_start3A_74 : memref<16x1024xf32, #tpu.memory_space<hbm>>) target_semaphore(%run_scoped3A : memref<!tpu.dma_semaphore, #tpu.memory_space<semaphore_mem>>)
      %dma_wait3A_75 = arith.constant 0 : i32
      %dma_wait3A_76 = tpu.memref_slice %arg6[%add3A_35, %dma_wait3A_75] : memref<1024x1024xf32, #tpu.memory_space<hbm>> -> memref<16x1024xf32, #tpu.memory_space<hbm>>
      %dma_wait3A_77 = arith.constant 0 : i32
      %dma_wait3A_78 = tpu.memref_slice %arg6[%add3A_35, %dma_wait3A_77] : memref<1024x1024xf32, #tpu.memory_space<hbm>> -> memref<16x1024xf32, #tpu.memory_space<hbm>>
      tpu.wait_dma2 semaphore(%run_scoped3A : memref<!tpu.dma_semaphore, #tpu.memory_space<semaphore_mem>>) src(%arg9 : memref<16x1024xf32, #tpu.memory_space<vmem>>) dst(%dma_wait3A_78 : memref<16x1024xf32, #tpu.memory_space<hbm>>)
      tpu.yield
    }) : () -> ()
    "tpu.region"() ({
      %run_scoped3A = tpu.sem_alloc : memref<!tpu.dma_semaphore, #tpu.memory_space<semaphore_mem>>
      %dma_start3A_71 = arith.constant 0 : i32
      %dma_start3A_72 = tpu.memref_slice %arg6[%add3A_58, %dma_start3A_71] : memref<1024x1024xf32, #tpu.memory_space<hbm>> -> memref<16x1024xf32, #tpu.memory_space<hbm>>
      %dma_start3A_73 = arith.constant 0 : i32
      %dma_start3A_74 = tpu.memref_slice %arg6[%add3A_58, %dma_start3A_73] : memref<1024x1024xf32, #tpu.memory_space<hbm>> -> memref<16x1024xf32, #tpu.memory_space<hbm>>
      tpu.enqueue_dma source(%arg10 : memref<16x1024xf32, #tpu.memory_space<vmem>>) target(%dma_start3A_74 : memref<16x1024xf32, #tpu.memory_space<hbm>>) target_semaphore(%run_scoped3A : memref<!tpu.dma_semaphore, #tpu.memory_space<semaphore_mem>>)
      %dma_wait3A_75 = arith.constant 0 : i32
      %dma_wait3A_76 = tpu.memref_slice %arg6[%add3A_58, %dma_wait3A_75] : memref<1024x1024xf32, #tpu.memory_space<hbm>> -> memref<16x1024xf32, #tpu.memory_space<hbm>>
      %dma_wait3A_77 = arith.constant 0 : i32
      %dma_wait3A_78 = tpu.memref_slice %arg6[%add3A_58, %dma_wait3A_77] : memref<1024x1024xf32, #tpu.memory_space<hbm>> -> memref<16x1024xf32, #tpu.memory_space<hbm>>
      tpu.wait_dma2 semaphore(%run_scoped3A : memref<!tpu.dma_semaphore, #tpu.memory_space<semaphore_mem>>) src(%arg10 : memref<16x1024xf32, #tpu.memory_space<vmem>>) dst(%dma_wait3A_78 : memref<16x1024xf32, #tpu.memory_space<hbm>>)
      tpu.yield
    }) : () -> ()
    %dma_start3A_65 = arith.constant 0 : i32
    %dma_start3A_66 = arith.constant 0 : i32
    %dma_start3A_67 = tpu.memref_slice %arg6[%dma_start3A_65, %dma_start3A_66] : memref<1024x1024xf32, #tpu.memory_space<hbm>> -> memref<1024x1024xf32, #tpu.memory_space<hbm>>
    tpu.enqueue_indirect_dma source(%arg10 : memref<16x1024xf32, #tpu.memory_space<vmem>>) target(%dma_start3A_67 : memref<1024x1024xf32, #tpu.memory_space<hbm>>) offsets(%arg8 : memref<16xi32, #tpu.memory_space<vmem>>) semaphore(%arg11 : memref<!tpu.dma_semaphore, #tpu.memory_space<semaphore_mem>>)
    %dma_wait3A_68 = arith.constant 0 : i32
    %dma_wait3A_69 = arith.constant 0 : i32
    %dma_wait3A_70 = tpu.memref_slice %arg6[%dma_wait3A_68, %dma_wait3A_69] : memref<1024x1024xf32, #tpu.memory_space<hbm>> -> memref<1024x1024xf32, #tpu.memory_space<hbm>>
    tpu.wait_indirect_dma semaphore(%arg11 : memref<!tpu.dma_semaphore, #tpu.memory_space<semaphore_mem>>) src(%arg10 : memref<16x1024xf32, #tpu.memory_space<vmem>>) dst(%dma_wait3A_70 : memref<1024x1024xf32, #tpu.memory_space<hbm>>)
    return
  }
}

module attributes {stable_mosaic.version = 14 : i64} {
  func.func @_score_body(%arg0: i32, %arg1: i32, %arg2: memref<1x512x1024xf32, #tpu.memory_space<vmem>>, %arg3: memref<1024x1xf32, #tpu.memory_space<vmem>>, %arg4: memref<1x1xf32, #tpu.memory_space<smem>>, %arg5: memref<512x1xf32, #tpu.memory_space<vmem>>) attributes {dimension_semantics = [#tpu.dimension_semantics<arbitrary>, #tpu.dimension_semantics<arbitrary>], iteration_bounds = array<i64: 4, 16>, scalar_prefetch = 0 : i64, scratch_operands = 0 : i64, tpu.core_type = #tpu.core_type<tc>, window_params = [{transform_indices = @transform_0, window_bounds = array<i64: 1, 512, 1024>}, {pipeline_mode = #tpu.pipeline_mode<synchronous>, transform_indices = @transform_1, window_bounds = array<i64: 1024, 1>}, {transform_indices = @transform_2, window_bounds = array<i64: 1, 1>}, {transform_indices = @transform_3, window_bounds = array<i64: 512, 1>}]} {
    %get3A = arith.constant 0 : index
    %get3A_0 = arith.constant 0 : index
    %get3A_1 = arith.constant 0 : index
    %get3A_2 = vector.load %arg2[%get3A, %get3A_0, %get3A_1] : memref<1x512x1024xf32, #tpu.memory_space<vmem>>, vector<1x512x1024xf32>
    %get3A_3 = vector.shape_cast %get3A_2 : vector<1x512x1024xf32> to vector<512x1024xf32>
    %get3A_4 = arith.constant 0 : index
    %get3A_5 = arith.constant 0 : index
    %get3A_6 = vector.load %arg3[%get3A_4, %get3A_5] : memref<1024x1xf32, #tpu.memory_space<vmem>>, vector<1024x1xf32>
    %dot_general3A = arith.constant dense<0.000000e+00> : vector<512x1xf32>
    %dot_general3A_7 = tpu.matmul %get3A_3, %get3A_6, %dot_general3A {dimension_numbers = #tpu.dot_dimension_numbers<[1], [0], [0], [1], [0, 0, 1, 1], [], []>, transpose_lhs_hint = false} : vector<512x1024xf32>, vector<1024x1xf32>, vector<512x1xf32> -> vector<512x1xf32>
    %get3A_8 = arith.constant 0 : index
    %get3A_9 = arith.constant 0 : index
    %get3A_10 = memref.load %arg4[%get3A_8, %get3A_9] : memref<1x1xf32, #tpu.memory_space<smem>>
    %add3A = vector.broadcast %get3A_10 : f32 to vector<512x1xf32>
    %add3A_11 = arith.addf %dot_general3A_7, %add3A : vector<512x1xf32>
    %logistic3A = arith.negf %add3A_11 : vector<512x1xf32>
    %logistic3A_12 = math.exp %logistic3A : vector<512x1xf32>
    %logistic3A_13 = arith.constant 1.000000e+00 : f32
    %logistic3A_14 = vector.broadcast %logistic3A_13 : f32 to vector<512x1xf32>
    %logistic3A_15 = arith.addf %logistic3A_14, %logistic3A_12 : vector<512x1xf32>
    %logistic3A_16 = arith.divf %logistic3A_14, %logistic3A_15 : vector<512x1xf32>
    %swap3A = arith.constant 0 : index
    %swap3A_17 = arith.constant 0 : index
    %swap3A_18 = vector.load %arg5[%swap3A, %swap3A_17] : memref<512x1xf32, #tpu.memory_space<vmem>>, vector<512x1xf32>
    tpu.vector_store %arg5[%swap3A, %swap3A_17], %logistic3A_16 {strides = array<i32>} : memref<512x1xf32, #tpu.memory_space<vmem>>, vector<512x1xf32>,
    return
  }
  func.func @transform_0(%arg0: i32, %arg1: i32) -> (i32, i32, i32) {
    %c0_i32 = arith.constant 0 : i32
    %c0_i32_0 = arith.constant 0 : i32
    return %arg0, %arg1, %c0_i32 : i32, i32, i32
  }
  func.func @transform_1(%arg0: i32, %arg1: i32) -> (i32, i32) {
    %c0_i32 = arith.constant 0 : i32
    %c0_i32_0 = arith.constant 0 : i32
    %c0_i32_1 = arith.constant 0 : i32
    return %c0_i32, %c0_i32_0 : i32, i32
  }
  func.func @transform_2(%arg0: i32, %arg1: i32) -> (i32, i32) {
    %c0_i32 = arith.constant 0 : i32
    %c0_i32_0 = arith.constant 0 : i32
    %c0_i32_1 = arith.constant 0 : i32
    return %c0_i32, %c0_i32_0 : i32, i32
  }
  func.func @transform_3(%arg0: i32, %arg1: i32) -> (i32, i32) {
    %mul3A = arith.constant 16 : i32
    %mul3A_0 = arith.muli %arg0, %mul3A : i32
    %add3A = arith.addi %mul3A_0, %arg1 : i32
    %c0_i32 = arith.constant 0 : i32
    %c0_i32_1 = arith.constant 0 : i32
    return %add3A, %c0_i32 : i32, i32
  }
}

module attributes {stable_mosaic.version = 14 : i64} {
  func.func @_gates_topk_body(%arg0: memref<4x1024xf32, #tpu.memory_space<vmem>>, %arg1: memref<1024x256xf32, #tpu.memory_space<vmem>>, %arg2: memref<1x256xf32, #tpu.memory_space<vmem>>, %arg3: memref<1x1024xf32, #tpu.memory_space<vmem>>, %arg4: memref<1x1xf32, #tpu.memory_space<vmem>>, %arg5: memref<1024x1024xf32, #tpu.memory_space<vmem>>, %arg6: memref<1x1024xf32, #tpu.memory_space<vmem>>, %arg7: memref<1024x1024xf32, #tpu.memory_space<vmem>>, %arg8: memref<1x1024xf32, #tpu.memory_space<vmem>>, %arg9: memref<4x8192xf32, #tpu.memory_space<vmem>>, %arg10: memref<4x256xf32, #tpu.memory_space<vmem>>, %arg11: memref<4x1xf32, #tpu.memory_space<vmem>>, %arg12: memref<4x1xi32, #tpu.memory_space<vmem>>, %arg13: memref<1024x4xf32, #tpu.memory_space<vmem>>, %arg14: memref<4x1xf32, #tpu.memory_space<vmem>>, %arg15: memref<128x4xi32, #tpu.memory_space<vmem>>, %arg16: memref<4x8192xf32, #tpu.memory_space<vmem>>) attributes {dimension_semantics = [], scalar_prefetch = 0 : i64, scratch_operands = 1 : i64, tpu.core_type = #tpu.core_type<tc>} {
    %get3A = arith.constant 0 : index
    %get3A_0 = arith.constant 0 : index
    %get3A_1 = vector.load %arg0[%get3A, %get3A_0] : memref<4x1024xf32, #tpu.memory_space<vmem>>, vector<4x1024xf32>
    %get3A_2 = arith.constant 0 : index
    %get3A_3 = arith.constant 0 : index
    %get3A_4 = vector.load %arg1[%get3A_2, %get3A_3] : memref<1024x256xf32, #tpu.memory_space<vmem>>, vector<1024x256xf32>
    %dot_general3A = arith.constant dense<0.000000e+00> : vector<4x256xf32>
    %dot_general3A_5 = tpu.matmul %get3A_1, %get3A_4, %dot_general3A {dimension_numbers = #tpu.dot_dimension_numbers<[1], [0], [0], [1], [0, 0, 1, 1], [], []>, transpose_lhs_hint = false} : vector<4x1024xf32>, vector<1024x256xf32>, vector<4x256xf32> -> vector<4x256xf32>
    %get3A_6 = arith.constant 0 : index
    %get3A_7 = arith.constant 0 : index
    %get3A_8 = vector.load %arg2[%get3A_6, %get3A_7] : memref<1x256xf32, #tpu.memory_space<vmem>>, vector<1x256xf32>
    %add3A = vector.broadcast %get3A_8 : vector<1x256xf32> to vector<4x256xf32>
    %add3A_9 = arith.addf %dot_general3A_5, %add3A : vector<4x256xf32>
    %logistic3A = arith.negf %add3A_9 : vector<4x256xf32>
    %logistic3A_10 = math.exp %logistic3A : vector<4x256xf32>
    %logistic3A_11 = arith.constant 1.000000e+00 : f32
    %logistic3A_12 = vector.broadcast %logistic3A_11 : f32 to vector<4x256xf32>
    %logistic3A_13 = arith.addf %logistic3A_12, %logistic3A_10 : vector<4x256xf32>
    %logistic3A_14 = arith.divf %logistic3A_12, %logistic3A_13 : vector<4x256xf32>
    %swap3A = arith.constant 0 : index
    %swap3A_15 = arith.constant 0 : index
    %swap3A_16 = vector.load %arg10[%swap3A, %swap3A_15] : memref<4x256xf32, #tpu.memory_space<vmem>>, vector<4x256xf32>
    tpu.vector_store %arg10[%swap3A, %swap3A_15], %logistic3A_14 {strides = array<i32>} : memref<4x256xf32, #tpu.memory_space<vmem>>, vector<4x256xf32>,
    %reduce_min3A = arith.constant dense<0x7F800000> : vector<4xf32>
    %reduce_min3A_17 = vector.multi_reduction <minimumf>, %logistic3A_14, %reduce_min3A [1] : vector<4x256xf32> to vector<4xf32>
    %broadcast_in_dim3A = vector.shape_cast %reduce_min3A_17 : vector<4xf32> to vector<4x1xf32>
    %iota3A = tpu.iota {dimensions = array<i32: 1>} : vector<4x256xi32>
    %eq3A = vector.broadcast %broadcast_in_dim3A : vector<4x1xf32> to vector<4x256xf32>
    %eq3A_18 = arith.cmpf oeq, %logistic3A_14, %eq3A : vector<4x256xf32>
    %jit3A = arith.constant 256 : i32
    %broadcast_in_dim3A_19 = vector.broadcast %jit3A : i32 to vector<4x256xi32>
    %select_n3A = arith.select %eq3A_18, %iota3A, %broadcast_in_dim3A_19 : vector<4x256xi1>, vector<4x256xi32>
    %reduce_min3A_20 = arith.constant dense<2147483647> : vector<4xi32>
    %reduce_min3A_21 = vector.multi_reduction <minsi>, %select_n3A, %reduce_min3A_20 [1] : vector<4x256xi32> to vector<4xi32>
    %broadcast_in_dim3A_22 = vector.shape_cast %reduce_min3A_21 : vector<4xi32> to vector<4x1xi32>
    %swap3A_23 = arith.constant 0 : index
    %swap3A_24 = arith.constant 0 : index
    %swap3A_25 = vector.load %arg12[%swap3A_23, %swap3A_24] : memref<4x1xi32, #tpu.memory_space<vmem>>, vector<4x1xi32>
    tpu.vector_store %arg12[%swap3A_23, %swap3A_24], %broadcast_in_dim3A_22 {strides = array<i32>} : memref<4x1xi32, #tpu.memory_space<vmem>>, vector<4x1xi32>,
    %get3A_26 = arith.constant 0 : index
    %get3A_27 = arith.constant 0 : index
    %get3A_28 = vector.load %arg3[%get3A_26, %get3A_27] : memref<1x1024xf32, #tpu.memory_space<vmem>>, vector<1x1024xf32>
    %mul3A = vector.broadcast %get3A_28 : vector<1x1024xf32> to vector<4x1024xf32>
    %mul3A_29 = arith.mulf %get3A_1, %mul3A : vector<4x1024xf32>
    %reduce_sum3A = arith.constant dense<0.000000e+00> : vector<4xf32>
    %reduce_sum3A_30 = vector.multi_reduction <add>, %mul3A_29, %reduce_sum3A [1] : vector<4x1024xf32> to vector<4xf32>
    %broadcast_in_dim3A_31 = vector.shape_cast %reduce_sum3A_30 : vector<4xf32> to vector<4x1xf32>
    %get3A_32 = arith.constant 0 : index
    %get3A_33 = arith.constant 0 : index
    %get3A_34 = vector.load %arg4[%get3A_32, %get3A_33] : memref<1x1xf32, #tpu.memory_space<vmem>>, vector<1x1xf32>
    %add3A_35 = vector.broadcast %get3A_34 : vector<1x1xf32> to vector<4x1xf32>
    %add3A_36 = arith.addf %broadcast_in_dim3A_31, %add3A_35 : vector<4x1xf32>
    %logistic3A_37 = arith.negf %add3A_36 : vector<4x1xf32>
    %logistic3A_38 = math.exp %logistic3A_37 : vector<4x1xf32>
    %logistic3A_39 = arith.constant 1.000000e+00 : f32
    %logistic3A_40 = vector.broadcast %logistic3A_39 : f32 to vector<4x1xf32>
    %logistic3A_41 = arith.addf %logistic3A_40, %logistic3A_38 : vector<4x1xf32>
    %logistic3A_42 = arith.divf %logistic3A_40, %logistic3A_41 : vector<4x1xf32>
    %swap3A_43 = arith.constant 0 : index
    %swap3A_44 = arith.constant 0 : index
    %swap3A_45 = vector.load %arg11[%swap3A_43, %swap3A_44] : memref<4x1xf32, #tpu.memory_space<vmem>>, vector<4x1xf32>
    tpu.vector_store %arg11[%swap3A_43, %swap3A_44], %logistic3A_42 {strides = array<i32>} : memref<4x1xf32, #tpu.memory_space<vmem>>, vector<4x1xf32>,
    %get3A_46 = arith.constant 0 : index
    %get3A_47 = arith.constant 0 : index
    %get3A_48 = vector.load %arg5[%get3A_46, %get3A_47] : memref<1024x1024xf32, #tpu.memory_space<vmem>>, vector<1024x1024xf32>
    %dot_general3A_49 = arith.constant dense<0.000000e+00> : vector<4x1024xf32>
    %dot_general3A_50 = tpu.matmul %get3A_1, %get3A_48, %dot_general3A_49 {dimension_numbers = #tpu.dot_dimension_numbers<[1], [0], [0], [1], [0, 0, 1, 1], [], []>, transpose_lhs_hint = false} : vector<4x1024xf32>, vector<1024x1024xf32>, vector<4x1024xf32> -> vector<4x1024xf32>
    %get3A_51 = arith.constant 0 : index
    %get3A_52 = arith.constant 0 : index
    %get3A_53 = vector.load %arg6[%get3A_51, %get3A_52] : memref<1x1024xf32, #tpu.memory_space<vmem>>, vector<1x1024xf32>
    %add3A_54 = vector.broadcast %get3A_53 : vector<1x1024xf32> to vector<4x1024xf32>
    %add3A_55 = arith.addf %dot_general3A_50, %add3A_54 : vector<4x1024xf32>
    %get3A_56 = arith.constant 0 : index
    %get3A_57 = arith.constant 0 : index
    %get3A_58 = vector.load %arg7[%get3A_56, %get3A_57] : memref<1024x1024xf32, #tpu.memory_space<vmem>>, vector<1024x1024xf32>
    %dot_general3A_59 = arith.constant dense<0.000000e+00> : vector<1024x4xf32>
    %dot_general3A_60 = tpu.matmul %get3A_58, %add3A_55, %dot_general3A_59 {dimension_numbers = #tpu.dot_dimension_numbers<[1], [1], [0], [0], [0, 0, 1, 0], [], []>, transpose_lhs_hint = false} : vector<1024x1024xf32>, vector<4x1024xf32>, vector<1024x4xf32> -> vector<1024x4xf32>
    %swap3A_61 = arith.constant 0 : index
    %swap3A_62 = arith.constant 0 : index
    %swap3A_63 = vector.load %arg13[%swap3A_61, %swap3A_62] : memref<1024x4xf32, #tpu.memory_space<vmem>>, vector<1024x4xf32>
    tpu.vector_store %arg13[%swap3A_61, %swap3A_62], %dot_general3A_60 {strides = array<i32>} : memref<1024x4xf32, #tpu.memory_space<vmem>>, vector<1024x4xf32>,
    %get3A_64 = arith.constant 0 : index
    %get3A_65 = arith.constant 0 : index
    %get3A_66 = vector.load %arg8[%get3A_64, %get3A_65] : memref<1x1024xf32, #tpu.memory_space<vmem>>, vector<1x1024xf32>
    %mul3A_67 = vector.broadcast %get3A_66 : vector<1x1024xf32> to vector<4x1024xf32>
    %mul3A_68 = arith.mulf %add3A_55, %mul3A_67 : vector<4x1024xf32>
    %reduce_sum3A_69 = arith.constant dense<0.000000e+00> : vector<4xf32>
    %reduce_sum3A_70 = vector.multi_reduction <add>, %mul3A_68, %reduce_sum3A_69 [1] : vector<4x1024xf32> to vector<4xf32>
    %broadcast_in_dim3A_71 = vector.shape_cast %reduce_sum3A_70 : vector<4xf32> to vector<4x1xf32>
    %swap3A_72 = arith.constant 0 : index
    %swap3A_73 = arith.constant 0 : index
    %swap3A_74 = vector.load %arg14[%swap3A_72, %swap3A_73] : memref<4x1xf32, #tpu.memory_space<vmem>>, vector<4x1xf32>
    tpu.vector_store %arg14[%swap3A_72, %swap3A_73], %broadcast_in_dim3A_71 {strides = array<i32>} : memref<4x1xf32, #tpu.memory_space<vmem>>, vector<4x1xf32>,
    %get3A_75 = arith.constant 0 : index
    %get3A_76 = arith.constant 0 : index
    %get3A_77 = vector.load %arg9[%get3A_75, %get3A_76] : memref<4x8192xf32, #tpu.memory_space<vmem>>, vector<4x8192xf32>
    %swap3A_78 = arith.constant 0 : index
    %swap3A_79 = arith.constant 0 : index
    %swap3A_80 = vector.load %arg16[%swap3A_78, %swap3A_79] : memref<4x8192xf32, #tpu.memory_space<vmem>>, vector<4x8192xf32>
    tpu.vector_store %arg16[%swap3A_78, %swap3A_79], %get3A_77 {strides = array<i32>} : memref<4x8192xf32, #tpu.memory_space<vmem>>, vector<4x8192xf32>,
    %iota3A_81 = tpu.iota {dimensions = array<i32: 1>} : vector<4x8192xi32>
    %scan3A = arith.constant 0 : i32
    %scan3A_82 = arith.constant 128 : i32
    %scan3A_83 = arith.addi %scan3A, %scan3A_82 : i32
    %scan3A_84 = arith.constant 1 : i32
    scf.for %scan3A_86 = %scan3A to %scan3A_83 step %scan3A_84  : i32 {
      %get3A_87 = arith.constant 0 : index
      %get3A_88 = arith.constant 0 : index
      %get3A_89 = vector.load %arg16[%get3A_87, %get3A_88] : memref<4x8192xf32, #tpu.memory_space<vmem>>, vector<4x8192xf32>
      %reduce_max3A = arith.constant dense<0xFF800000> : vector<4xf32>
      %reduce_max3A_90 = vector.multi_reduction <maximumf>, %get3A_89, %reduce_max3A [1] : vector<4x8192xf32> to vector<4xf32>
      %broadcast_in_dim3A_91 = vector.shape_cast %reduce_max3A_90 : vector<4xf32> to vector<4x1xf32>
      %eq3A_92 = vector.broadcast %broadcast_in_dim3A_91 : vector<4x1xf32> to vector<4x8192xf32>
      %eq3A_93 = arith.cmpf oeq, %get3A_89, %eq3A_92 : vector<4x8192xf32>
      %jit3A_94 = arith.constant 8192 : i32
      %broadcast_in_dim3A_95 = vector.broadcast %jit3A_94 : i32 to vector<4x8192xi32>
      %select_n3A_96 = arith.select %eq3A_93, %iota3A_81, %broadcast_in_dim3A_95 : vector<4x8192xi1>, vector<4x8192xi32>
      %reduce_min3A_97 = arith.constant dense<2147483647> : vector<4xi32>
      %reduce_min3A_98 = vector.multi_reduction <minsi>, %select_n3A_96, %reduce_min3A_97 [1] : vector<4x8192xi32> to vector<4xi32>
      %broadcast_in_dim3A_99 = vector.shape_cast %reduce_min3A_98 : vector<4xi32> to vector<4x1xi32>
      %reshape3A = vector.shape_cast %broadcast_in_dim3A_99 : vector<4x1xi32> to vector<1x4xi32>
      %swap3A_100 = arith.index_cast %scan3A_86 : i32 to index
      %swap3A_101 = arith.constant 0 : index
      %swap3A_102 = vector.load %arg15[%swap3A_100, %swap3A_101] : memref<128x4xi32, #tpu.memory_space<vmem>>, vector<1x4xi32>
      tpu.vector_store %arg15[%swap3A_100, %swap3A_101], %reshape3A {strides = array<i32>} : memref<128x4xi32, #tpu.memory_space<vmem>>, vector<1x4xi32>,
      %eq3A_103 = vector.broadcast %broadcast_in_dim3A_99 : vector<4x1xi32> to vector<4x8192xi32>
      %eq3A_104 = arith.cmpi eq, %iota3A_81, %eq3A_103 : vector<4x8192xi32>
      %jit3A_105 = arith.constant -1.000000e+00 : f32
      %broadcast_in_dim3A_106 = vector.broadcast %jit3A_105 : f32 to vector<4x8192xf32>
      %select_n3A_107 = arith.select %eq3A_104, %broadcast_in_dim3A_106, %get3A_89 : vector<4x8192xi1>, vector<4x8192xf32>
      %swap3A_108 = arith.constant 0 : index
      %swap3A_109 = arith.constant 0 : index
      %swap3A_110 = vector.load %arg16[%swap3A_108, %swap3A_109] : memref<4x8192xf32, #tpu.memory_space<vmem>>, vector<4x8192xf32>
      tpu.vector_store %arg16[%swap3A_108, %swap3A_109], %select_n3A_107 {strides = array<i32>} : memref<4x8192xf32, #tpu.memory_space<vmem>>, vector<4x8192xf32>,
    }
    %scan3A_85 = arith.constant 128 : i32
    return
  }
}

module attributes {stable_mosaic.version = 14 : i64} {
  func.func @_read_body(%arg0: memref<4x256x1024xf32, #tpu.memory_space<vmem>>, %arg1: memref<1024x4xf32, #tpu.memory_space<vmem>>, %arg2: memref<4x1xf32, #tpu.memory_space<vmem>>, %arg3: memref<4x1xf32, #tpu.memory_space<vmem>>, %arg4: memref<4x1024xf32, #tpu.memory_space<vmem>>, %arg5: memref<1024x64xf32, #tpu.memory_space<vmem>>, %arg6: memref<1x64xf32, #tpu.memory_space<vmem>>, %arg7: memref<4x64xf32, #tpu.memory_space<vmem>>) attributes {dimension_semantics = [], scalar_prefetch = 0 : i64, scratch_operands = 0 : i64, tpu.core_type = #tpu.core_type<tc>} {
    %get3A = arith.constant 0 : index
    %get3A_0 = arith.constant 0 : index
    %get3A_1 = arith.constant 0 : index
    %get3A_2 = vector.load %arg0[%get3A, %get3A_0, %get3A_1] : memref<4x256x1024xf32, #tpu.memory_space<vmem>>, vector<1x256x1024xf32>
    %get3A_3 = vector.shape_cast %get3A_2 : vector<1x256x1024xf32> to vector<256x1024xf32>
    %get3A_4 = arith.constant 0 : index
    %get3A_5 = arith.constant 0 : index
    %get3A_6 = vector.load %arg1[%get3A_4, %get3A_5] : memref<1024x4xf32, #tpu.memory_space<vmem>>, vector<1024x1xf32>
    %dot_general3A = arith.constant dense<0.000000e+00> : vector<256x1xf32>
    %dot_general3A_7 = tpu.matmul %get3A_3, %get3A_6, %dot_general3A {dimension_numbers = #tpu.dot_dimension_numbers<[1], [0], [0], [1], [0, 0, 1, 1], [], []>, transpose_lhs_hint = false} : vector<256x1024xf32>, vector<1024x1xf32>, vector<256x1xf32> -> vector<256x1xf32>
    %get3A_8 = arith.constant 0 : index
    %get3A_9 = arith.constant 0 : index
    %get3A_10 = vector.load %arg2[%get3A_8, %get3A_9] : memref<4x1xf32, #tpu.memory_space<vmem>>, vector<1x1xf32>
    %add3A = vector.broadcast %get3A_10 : vector<1x1xf32> to vector<256x1xf32>
    %add3A_11 = arith.addf %dot_general3A_7, %add3A : vector<256x1xf32>
    %mul3A = arith.constant 3.125000e-02 : f32
    %mul3A_12 = vector.broadcast %mul3A : f32 to vector<256x1xf32>
    %mul3A_13 = arith.mulf %add3A_11, %mul3A_12 : vector<256x1xf32>
    %reduce_max3A = arith.constant dense<0xFF800000> : vector<1xf32>
    %reduce_max3A_14 = vector.multi_reduction <maximumf>, %mul3A_13, %reduce_max3A [0] : vector<256x1xf32> to vector<1xf32>
    %broadcast_in_dim3A = vector.shape_cast %reduce_max3A_14 : vector<1xf32> to vector<1x1xf32>
    %sub3A = vector.broadcast %broadcast_in_dim3A : vector<1x1xf32> to vector<256x1xf32>
    %sub3A_15 = arith.subf %mul3A_13, %sub3A : vector<256x1xf32>
    %exp3A = math.exp %sub3A_15 : vector<256x1xf32>
    %reduce_sum3A = arith.constant dense<0.000000e+00> : vector<1xf32>
    %reduce_sum3A_16 = vector.multi_reduction <add>, %exp3A, %reduce_sum3A [0] : vector<256x1xf32> to vector<1xf32>
    %broadcast_in_dim3A_17 = vector.shape_cast %reduce_sum3A_16 : vector<1xf32> to vector<1x1xf32>
    %div3A = vector.broadcast %broadcast_in_dim3A_17 : vector<1x1xf32> to vector<256x1xf32>
    %div3A_18 = arith.divf %exp3A, %div3A : vector<256x1xf32>
    %dot_general3A_19 = arith.constant dense<0.000000e+00> : vector<1x1024xf32>
    %dot_general3A_20 = tpu.matmul %div3A_18, %get3A_3, %dot_general3A_19 {dimension_numbers = #tpu.dot_dimension_numbers<[0], [0], [1], [1], [0, 1, 1, 1], [], []>, transpose_lhs_hint = false} : vector<256x1xf32>, vector<256x1024xf32>, vector<1x1024xf32> -> vector<1x1024xf32>
    %get3A_21 = arith.constant 0 : index
    %get3A_22 = arith.constant 0 : index
    %get3A_23 = vector.load %arg3[%get3A_21, %get3A_22] : memref<4x1xf32, #tpu.memory_space<vmem>>, vector<1x1xf32>
    %mul3A_24 = vector.broadcast %get3A_23 : vector<1x1xf32> to vector<1x1024xf32>
    %mul3A_25 = arith.mulf %mul3A_24, %dot_general3A_20 : vector<1x1024xf32>
    %sub3A_26 = arith.constant 1.000000e+00 : f32
    %sub3A_27 = vector.broadcast %sub3A_26 : f32 to vector<1x1xf32>
    %sub3A_28 = arith.subf %sub3A_27, %get3A_23 : vector<1x1xf32>
    %get3A_29 = arith.constant 0 : index
    %get3A_30 = arith.constant 0 : index
    %get3A_31 = vector.load %arg4[%get3A_29, %get3A_30] : memref<4x1024xf32, #tpu.memory_space<vmem>>, vector<1x1024xf32>
    %mul3A_32 = vector.broadcast %sub3A_28 : vector<1x1xf32> to vector<1x1024xf32>
    %mul3A_33 = arith.mulf %mul3A_32, %get3A_31 : vector<1x1024xf32>
    %add3A_34 = arith.addf %mul3A_25, %mul3A_33 : vector<1x1024xf32>
    %get3A_35 = arith.constant 0 : index
    %get3A_36 = arith.constant 0 : index
    %get3A_37 = vector.load %arg5[%get3A_35, %get3A_36] : memref<1024x64xf32, #tpu.memory_space<vmem>>, vector<1024x64xf32>
    %dot_general3A_38 = arith.constant dense<0.000000e+00> : vector<1x64xf32>
    %dot_general3A_39 = tpu.matmul %add3A_34, %get3A_37, %dot_general3A_38 {dimension_numbers = #tpu.dot_dimension_numbers<[1], [0], [0], [1], [0, 0, 1, 1], [], []>, transpose_lhs_hint = false} : vector<1x1024xf32>, vector<1024x64xf32>, vector<1x64xf32> -> vector<1x64xf32>
    %get3A_40 = arith.constant 0 : index
    %get3A_41 = arith.constant 0 : index
    %get3A_42 = vector.load %arg6[%get3A_40, %get3A_41] : memref<1x64xf32, #tpu.memory_space<vmem>>, vector<1x64xf32>
    %add3A_43 = arith.addf %dot_general3A_39, %get3A_42 : vector<1x64xf32>
    %swap3A = arith.constant 0 : index
    %swap3A_44 = arith.constant 0 : index
    %swap3A_45 = vector.load %arg7[%swap3A, %swap3A_44] : memref<4x64xf32, #tpu.memory_space<vmem>>, vector<1x64xf32>
    tpu.vector_store %arg7[%swap3A, %swap3A_44], %add3A_43 {strides = array<i32>} : memref<4x64xf32, #tpu.memory_space<vmem>>, vector<1x64xf32>,
    %get3A_46 = arith.constant 1 : index
    %get3A_47 = arith.constant 0 : index
    %get3A_48 = arith.constant 0 : index
    %get3A_49 = vector.load %arg0[%get3A_46, %get3A_47, %get3A_48] : memref<4x256x1024xf32, #tpu.memory_space<vmem>>, vector<1x256x1024xf32>
    %get3A_50 = vector.shape_cast %get3A_49 : vector<1x256x1024xf32> to vector<256x1024xf32>
    %get3A_51 = arith.constant 0 : index
    %get3A_52 = arith.constant 1 : index
    %get3A_53 = vector.load %arg1[%get3A_51, %get3A_52] : memref<1024x4xf32, #tpu.memory_space<vmem>>, vector<1024x1xf32>
    %dot_general3A_54 = arith.constant dense<0.000000e+00> : vector<256x1xf32>
    %dot_general3A_55 = tpu.matmul %get3A_50, %get3A_53, %dot_general3A_54 {dimension_numbers = #tpu.dot_dimension_numbers<[1], [0], [0], [1], [0, 0, 1, 1], [], []>, transpose_lhs_hint = false} : vector<256x1024xf32>, vector<1024x1xf32>, vector<256x1xf32> -> vector<256x1xf32>
    %get3A_56 = arith.constant 1 : index
    %get3A_57 = arith.constant 0 : index
    %get3A_58 = vector.load %arg2[%get3A_56, %get3A_57] : memref<4x1xf32, #tpu.memory_space<vmem>>, vector<1x1xf32>
    %add3A_59 = vector.broadcast %get3A_58 : vector<1x1xf32> to vector<256x1xf32>
    %add3A_60 = arith.addf %dot_general3A_55, %add3A_59 : vector<256x1xf32>
    %mul3A_61 = arith.constant 3.125000e-02 : f32
    %mul3A_62 = vector.broadcast %mul3A_61 : f32 to vector<256x1xf32>
    %mul3A_63 = arith.mulf %add3A_60, %mul3A_62 : vector<256x1xf32>
    %reduce_max3A_64 = arith.constant dense<0xFF800000> : vector<1xf32>
    %reduce_max3A_65 = vector.multi_reduction <maximumf>, %mul3A_63, %reduce_max3A_64 [0] : vector<256x1xf32> to vector<1xf32>
    %broadcast_in_dim3A_66 = vector.shape_cast %reduce_max3A_65 : vector<1xf32> to vector<1x1xf32>
    %sub3A_67 = vector.broadcast %broadcast_in_dim3A_66 : vector<1x1xf32> to vector<256x1xf32>
    %sub3A_68 = arith.subf %mul3A_63, %sub3A_67 : vector<256x1xf32>
    %exp3A_69 = math.exp %sub3A_68 : vector<256x1xf32>
    %reduce_sum3A_70 = arith.constant dense<0.000000e+00> : vector<1xf32>
    %reduce_sum3A_71 = vector.multi_reduction <add>, %exp3A_69, %reduce_sum3A_70 [0] : vector<256x1xf32> to vector<1xf32>
    %broadcast_in_dim3A_72 = vector.shape_cast %reduce_sum3A_71 : vector<1xf32> to vector<1x1xf32>
    %div3A_73 = vector.broadcast %broadcast_in_dim3A_72 : vector<1x1xf32> to vector<256x1xf32>
    %div3A_74 = arith.divf %exp3A_69, %div3A_73 : vector<256x1xf32>
    %dot_general3A_75 = arith.constant dense<0.000000e+00> : vector<1x1024xf32>
    %dot_general3A_76 = tpu.matmul %div3A_74, %get3A_50, %dot_general3A_75 {dimension_numbers = #tpu.dot_dimension_numbers<[0], [0], [1], [1], [0, 1, 1, 1], [], []>, transpose_lhs_hint = false} : vector<256x1xf32>, vector<256x1024xf32>, vector<1x1024xf32> -> vector<1x1024xf32>
    %get3A_77 = arith.constant 1 : index
    %get3A_78 = arith.constant 0 : index
    %get3A_79 = vector.load %arg3[%get3A_77, %get3A_78] : memref<4x1xf32, #tpu.memory_space<vmem>>, vector<1x1xf32>
    %mul3A_80 = vector.broadcast %get3A_79 : vector<1x1xf32> to vector<1x1024xf32>
    %mul3A_81 = arith.mulf %mul3A_80, %dot_general3A_76 : vector<1x1024xf32>
    %sub3A_82 = arith.constant 1.000000e+00 : f32
    %sub3A_83 = vector.broadcast %sub3A_82 : f32 to vector<1x1xf32>
    %sub3A_84 = arith.subf %sub3A_83, %get3A_79 : vector<1x1xf32>
    %get3A_85 = arith.constant 1 : index
    %get3A_86 = arith.constant 0 : index
    %get3A_87 = vector.load %arg4[%get3A_85, %get3A_86] : memref<4x1024xf32, #tpu.memory_space<vmem>>, vector<1x1024xf32>
    %mul3A_88 = vector.broadcast %sub3A_84 : vector<1x1xf32> to vector<1x1024xf32>
    %mul3A_89 = arith.mulf %mul3A_88, %get3A_87 : vector<1x1024xf32>
    %add3A_90 = arith.addf %mul3A_81, %mul3A_89 : vector<1x1024xf32>
    %get3A_91 = arith.constant 0 : index
    %get3A_92 = arith.constant 0 : index
    %get3A_93 = vector.load %arg5[%get3A_91, %get3A_92] : memref<1024x64xf32, #tpu.memory_space<vmem>>, vector<1024x64xf32>
    %dot_general3A_94 = arith.constant dense<0.000000e+00> : vector<1x64xf32>
    %dot_general3A_95 = tpu.matmul %add3A_90, %get3A_93, %dot_general3A_94 {dimension_numbers = #tpu.dot_dimension_numbers<[1], [0], [0], [1], [0, 0, 1, 1], [], []>, transpose_lhs_hint = false} : vector<1x1024xf32>, vector<1024x64xf32>, vector<1x64xf32> -> vector<1x64xf32>
    %get3A_96 = arith.constant 0 : index
    %get3A_97 = arith.constant 0 : index
    %get3A_98 = vector.load %arg6[%get3A_96, %get3A_97] : memref<1x64xf32, #tpu.memory_space<vmem>>, vector<1x64xf32>
    %add3A_99 = arith.addf %dot_general3A_95, %get3A_98 : vector<1x64xf32>
    %swap3A_100 = arith.constant 1 : index
    %swap3A_101 = arith.constant 0 : index
    %swap3A_102 = vector.load %arg7[%swap3A_100, %swap3A_101] : memref<4x64xf32, #tpu.memory_space<vmem>>, vector<1x64xf32>
    tpu.vector_store %arg7[%swap3A_100, %swap3A_101], %add3A_99 {strides = array<i32>} : memref<4x64xf32, #tpu.memory_space<vmem>>, vector<1x64xf32>,
    %get3A_103 = arith.constant 2 : index
    %get3A_104 = arith.constant 0 : index
    %get3A_105 = arith.constant 0 : index
    %get3A_106 = vector.load %arg0[%get3A_103, %get3A_104, %get3A_105] : memref<4x256x1024xf32, #tpu.memory_space<vmem>>, vector<1x256x1024xf32>
    %get3A_107 = vector.shape_cast %get3A_106 : vector<1x256x1024xf32> to vector<256x1024xf32>
    %get3A_108 = arith.constant 0 : index
    %get3A_109 = arith.constant 2 : index
    %get3A_110 = vector.load %arg1[%get3A_108, %get3A_109] : memref<1024x4xf32, #tpu.memory_space<vmem>>, vector<1024x1xf32>
    %dot_general3A_111 = arith.constant dense<0.000000e+00> : vector<256x1xf32>
    %dot_general3A_112 = tpu.matmul %get3A_107, %get3A_110, %dot_general3A_111 {dimension_numbers = #tpu.dot_dimension_numbers<[1], [0], [0], [1], [0, 0, 1, 1], [], []>, transpose_lhs_hint = false} : vector<256x1024xf32>, vector<1024x1xf32>, vector<256x1xf32> -> vector<256x1xf32>
    %get3A_113 = arith.constant 2 : index
    %get3A_114 = arith.constant 0 : index
    %get3A_115 = vector.load %arg2[%get3A_113, %get3A_114] : memref<4x1xf32, #tpu.memory_space<vmem>>, vector<1x1xf32>
    %add3A_116 = vector.broadcast %get3A_115 : vector<1x1xf32> to vector<256x1xf32>
    %add3A_117 = arith.addf %dot_general3A_112, %add3A_116 : vector<256x1xf32>
    %mul3A_118 = arith.constant 3.125000e-02 : f32
    %mul3A_119 = vector.broadcast %mul3A_118 : f32 to vector<256x1xf32>
    %mul3A_120 = arith.mulf %add3A_117, %mul3A_119 : vector<256x1xf32>
    %reduce_max3A_121 = arith.constant dense<0xFF800000> : vector<1xf32>
    %reduce_max3A_122 = vector.multi_reduction <maximumf>, %mul3A_120, %reduce_max3A_121 [0] : vector<256x1xf32> to vector<1xf32>
    %broadcast_in_dim3A_123 = vector.shape_cast %reduce_max3A_122 : vector<1xf32> to vector<1x1xf32>
    %sub3A_124 = vector.broadcast %broadcast_in_dim3A_123 : vector<1x1xf32> to vector<256x1xf32>
    %sub3A_125 = arith.subf %mul3A_120, %sub3A_124 : vector<256x1xf32>
    %exp3A_126 = math.exp %sub3A_125 : vector<256x1xf32>
    %reduce_sum3A_127 = arith.constant dense<0.000000e+00> : vector<1xf32>
    %reduce_sum3A_128 = vector.multi_reduction <add>, %exp3A_126, %reduce_sum3A_127 [0] : vector<256x1xf32> to vector<1xf32>
    %broadcast_in_dim3A_129 = vector.shape_cast %reduce_sum3A_128 : vector<1xf32> to vector<1x1xf32>
    %div3A_130 = vector.broadcast %broadcast_in_dim3A_129 : vector<1x1xf32> to vector<256x1xf32>
    %div3A_131 = arith.divf %exp3A_126, %div3A_130 : vector<256x1xf32>
    %dot_general3A_132 = arith.constant dense<0.000000e+00> : vector<1x1024xf32>
    %dot_general3A_133 = tpu.matmul %div3A_131, %get3A_107, %dot_general3A_132 {dimension_numbers = #tpu.dot_dimension_numbers<[0], [0], [1], [1], [0, 1, 1, 1], [], []>, transpose_lhs_hint = false} : vector<256x1xf32>, vector<256x1024xf32>, vector<1x1024xf32> -> vector<1x1024xf32>
    %get3A_134 = arith.constant 2 : index
    %get3A_135 = arith.constant 0 : index
    %get3A_136 = vector.load %arg3[%get3A_134, %get3A_135] : memref<4x1xf32, #tpu.memory_space<vmem>>, vector<1x1xf32>
    %mul3A_137 = vector.broadcast %get3A_136 : vector<1x1xf32> to vector<1x1024xf32>
    %mul3A_138 = arith.mulf %mul3A_137, %dot_general3A_133 : vector<1x1024xf32>
    %sub3A_139 = arith.constant 1.000000e+00 : f32
    %sub3A_140 = vector.broadcast %sub3A_139 : f32 to vector<1x1xf32>
    %sub3A_141 = arith.subf %sub3A_140, %get3A_136 : vector<1x1xf32>
    %get3A_142 = arith.constant 2 : index
    %get3A_143 = arith.constant 0 : index
    %get3A_144 = vector.load %arg4[%get3A_142, %get3A_143] : memref<4x1024xf32, #tpu.memory_space<vmem>>, vector<1x1024xf32>
    %mul3A_145 = vector.broadcast %sub3A_141 : vector<1x1xf32> to vector<1x1024xf32>
    %mul3A_146 = arith.mulf %mul3A_145, %get3A_144 : vector<1x1024xf32>
    %add3A_147 = arith.addf %mul3A_138, %mul3A_146 : vector<1x1024xf32>
    %get3A_148 = arith.constant 0 : index
    %get3A_149 = arith.constant 0 : index
    %get3A_150 = vector.load %arg5[%get3A_148, %get3A_149] : memref<1024x64xf32, #tpu.memory_space<vmem>>, vector<1024x64xf32>
    %dot_general3A_151 = arith.constant dense<0.000000e+00> : vector<1x64xf32>
    %dot_general3A_152 = tpu.matmul %add3A_147, %get3A_150, %dot_general3A_151 {dimension_numbers = #tpu.dot_dimension_numbers<[1], [0], [0], [1], [0, 0, 1, 1], [], []>, transpose_lhs_hint = false} : vector<1x1024xf32>, vector<1024x64xf32>, vector<1x64xf32> -> vector<1x64xf32>
    %get3A_153 = arith.constant 0 : index
    %get3A_154 = arith.constant 0 : index
    %get3A_155 = vector.load %arg6[%get3A_153, %get3A_154] : memref<1x64xf32, #tpu.memory_space<vmem>>, vector<1x64xf32>
    %add3A_156 = arith.addf %dot_general3A_152, %get3A_155 : vector<1x64xf32>
    %swap3A_157 = arith.constant 2 : index
    %swap3A_158 = arith.constant 0 : index
    %swap3A_159 = vector.load %arg7[%swap3A_157, %swap3A_158] : memref<4x64xf32, #tpu.memory_space<vmem>>, vector<1x64xf32>
    tpu.vector_store %arg7[%swap3A_157, %swap3A_158], %add3A_156 {strides = array<i32>} : memref<4x64xf32, #tpu.memory_space<vmem>>, vector<1x64xf32>,
    %get3A_160 = arith.constant 3 : index
    %get3A_161 = arith.constant 0 : index
    %get3A_162 = arith.constant 0 : index
    %get3A_163 = vector.load %arg0[%get3A_160, %get3A_161, %get3A_162] : memref<4x256x1024xf32, #tpu.memory_space<vmem>>, vector<1x256x1024xf32>
    %get3A_164 = vector.shape_cast %get3A_163 : vector<1x256x1024xf32> to vector<256x1024xf32>
    %get3A_165 = arith.constant 0 : index
    %get3A_166 = arith.constant 3 : index
    %get3A_167 = vector.load %arg1[%get3A_165, %get3A_166] : memref<1024x4xf32, #tpu.memory_space<vmem>>, vector<1024x1xf32>
    %dot_general3A_168 = arith.constant dense<0.000000e+00> : vector<256x1xf32>
    %dot_general3A_169 = tpu.matmul %get3A_164, %get3A_167, %dot_general3A_168 {dimension_numbers = #tpu.dot_dimension_numbers<[1], [0], [0], [1], [0, 0, 1, 1], [], []>, transpose_lhs_hint = false} : vector<256x1024xf32>, vector<1024x1xf32>, vector<256x1xf32> -> vector<256x1xf32>
    %get3A_170 = arith.constant 3 : index
    %get3A_171 = arith.constant 0 : index
    %get3A_172 = vector.load %arg2[%get3A_170, %get3A_171] : memref<4x1xf32, #tpu.memory_space<vmem>>, vector<1x1xf32>
    %add3A_173 = vector.broadcast %get3A_172 : vector<1x1xf32> to vector<256x1xf32>
    %add3A_174 = arith.addf %dot_general3A_169, %add3A_173 : vector<256x1xf32>
    %mul3A_175 = arith.constant 3.125000e-02 : f32
    %mul3A_176 = vector.broadcast %mul3A_175 : f32 to vector<256x1xf32>
    %mul3A_177 = arith.mulf %add3A_174, %mul3A_176 : vector<256x1xf32>
    %reduce_max3A_178 = arith.constant dense<0xFF800000> : vector<1xf32>
    %reduce_max3A_179 = vector.multi_reduction <maximumf>, %mul3A_177, %reduce_max3A_178 [0] : vector<256x1xf32> to vector<1xf32>
    %broadcast_in_dim3A_180 = vector.shape_cast %reduce_max3A_179 : vector<1xf32> to vector<1x1xf32>
    %sub3A_181 = vector.broadcast %broadcast_in_dim3A_180 : vector<1x1xf32> to vector<256x1xf32>
    %sub3A_182 = arith.subf %mul3A_177, %sub3A_181 : vector<256x1xf32>
    %exp3A_183 = math.exp %sub3A_182 : vector<256x1xf32>
    %reduce_sum3A_184 = arith.constant dense<0.000000e+00> : vector<1xf32>
    %reduce_sum3A_185 = vector.multi_reduction <add>, %exp3A_183, %reduce_sum3A_184 [0] : vector<256x1xf32> to vector<1xf32>
    %broadcast_in_dim3A_186 = vector.shape_cast %reduce_sum3A_185 : vector<1xf32> to vector<1x1xf32>
    %div3A_187 = vector.broadcast %broadcast_in_dim3A_186 : vector<1x1xf32> to vector<256x1xf32>
    %div3A_188 = arith.divf %exp3A_183, %div3A_187 : vector<256x1xf32>
    %dot_general3A_189 = arith.constant dense<0.000000e+00> : vector<1x1024xf32>
    %dot_general3A_190 = tpu.matmul %div3A_188, %get3A_164, %dot_general3A_189 {dimension_numbers = #tpu.dot_dimension_numbers<[0], [0], [1], [1], [0, 1, 1, 1], [], []>, transpose_lhs_hint = false} : vector<256x1xf32>, vector<256x1024xf32>, vector<1x1024xf32> -> vector<1x1024xf32>
    %get3A_191 = arith.constant 3 : index
    %get3A_192 = arith.constant 0 : index
    %get3A_193 = vector.load %arg3[%get3A_191, %get3A_192] : memref<4x1xf32, #tpu.memory_space<vmem>>, vector<1x1xf32>
    %mul3A_194 = vector.broadcast %get3A_193 : vector<1x1xf32> to vector<1x1024xf32>
    %mul3A_195 = arith.mulf %mul3A_194, %dot_general3A_190 : vector<1x1024xf32>
    %sub3A_196 = arith.constant 1.000000e+00 : f32
    %sub3A_197 = vector.broadcast %sub3A_196 : f32 to vector<1x1xf32>
    %sub3A_198 = arith.subf %sub3A_197, %get3A_193 : vector<1x1xf32>
    %get3A_199 = arith.constant 3 : index
    %get3A_200 = arith.constant 0 : index
    %get3A_201 = vector.load %arg4[%get3A_199, %get3A_200] : memref<4x1024xf32, #tpu.memory_space<vmem>>, vector<1x1024xf32>
    %mul3A_202 = vector.broadcast %sub3A_198 : vector<1x1xf32> to vector<1x1024xf32>
    %mul3A_203 = arith.mulf %mul3A_202, %get3A_201 : vector<1x1024xf32>
    %add3A_204 = arith.addf %mul3A_195, %mul3A_203 : vector<1x1024xf32>
    %get3A_205 = arith.constant 0 : index
    %get3A_206 = arith.constant 0 : index
    %get3A_207 = vector.load %arg5[%get3A_205, %get3A_206] : memref<1024x64xf32, #tpu.memory_space<vmem>>, vector<1024x64xf32>
    %dot_general3A_208 = arith.constant dense<0.000000e+00> : vector<1x64xf32>
    %dot_general3A_209 = tpu.matmul %add3A_204, %get3A_207, %dot_general3A_208 {dimension_numbers = #tpu.dot_dimension_numbers<[1], [0], [0], [1], [0, 0, 1, 1], [], []>, transpose_lhs_hint = false} : vector<1x1024xf32>, vector<1024x64xf32>, vector<1x64xf32> -> vector<1x64xf32>
    %get3A_210 = arith.constant 0 : index
    %get3A_211 = arith.constant 0 : index
    %get3A_212 = vector.load %arg6[%get3A_210, %get3A_211] : memref<1x64xf32, #tpu.memory_space<vmem>>, vector<1x64xf32>
    %add3A_213 = arith.addf %dot_general3A_209, %get3A_212 : vector<1x64xf32>
    %swap3A_214 = arith.constant 3 : index
    %swap3A_215 = arith.constant 0 : index
    %swap3A_216 = vector.load %arg7[%swap3A_214, %swap3A_215] : memref<4x64xf32, #tpu.memory_space<vmem>>, vector<1x64xf32>
    tpu.vector_store %arg7[%swap3A_214, %swap3A_215], %add3A_213 {strides = array<i32>} : memref<4x64xf32, #tpu.memory_space<vmem>>, vector<1x64xf32>,
    return
  }
}

</mosaic_0001>

<sc_bundles>
// kernel: kernel.6.cloned.1.call-start
scs
__scs_entry_jumppad:
0x0: {  	(pc) =	sbr.rel $0x88, $3  }
0x1: {  	(tag) =	ssettag $0x0;
	lr =	simm.s32 $0x1  }
0x2: {  	[smem:$0x3F93] =	sst lr;
	_ =	strace $0xD0000000  }
0x3: {  	_ = 	snop  }
0x4: {  	_ = 	snop  }
0x5: {  	_ = 	snop  }
0x6: {  	_ = 	snop  }
0x7: {  	_ = 	snop  }
__scs_overlays_trampoline_lowered:
0x8: {  	[smem:$0x3FA2] =	sst s0  }
0x9: {  	[smem:$0x3FA3] =	sst s1  }
0xa: {  	[smem:$0x3FA4] =	sst s2  }
0xb: {  	[smem:$0x3FA5] =	sst s3  }
0xc: {  	[smem:$0x3FA6] =	sst s4  }
0xd: {  	[smem:$0x3FA7] =	sst s5  }
0xe: {  	[smem:$0x3FA8] =	sst s6  }
0xf: {  	[smem:$0x3FA9] =	sst s7  }
0x10: {  	[smem:$0x3FAA] =	sst s8  }
0x11: {  	[smem:$0x3FAB] =	sst s9;
	s0 =	simm.s32 @!p0 $0x0  }
0x12: {  	s1 =	sld [smem:$0x3F91];
	s0 =	simm.s32 @p0 $0x1  }
0x13: {  	[smem:$0x3FAC] =	sst s0;
	s0 =	simm.s32 @!p1 $0x0  }
0x14: {  	s2 =	sld [smem:$0x3F90];
	s0 =	simm.s32 @p1 $0x1  }
0x15: {  	[smem:$0x3FAD] =	sst s0;
	s0 =	simm.s32 @!p2 $0x0  }
0x16: {  	s3 =	sld [smem:$0x3FDB];
	s0 =	simm.s32 @p2 $0x1  }
0x17: {  	s4 =	simm.s32 $0x1BF5;
	[smem:$0x3FAF] =	sst s0  }
0x18: {  	s0 =	sld [smem:$0x3F92];
	_ =	swait.ge [sflag:s4], $0x0  }
0x19: {  	s7 =	sld [smem:$0x3F93]  }
0x1a: {  	s8 =	sadd.s32 $0xFFFFE003, lr  }
0x1b: {  	s9 =	sadd.s32 $0xFFFFFEF7, lr;
	s5 =	simm.s32 $0xFFFFFFFF;
	p2 =	slt.u32 s8, $0xFFFFF086  }
0x1c: {  	p1 =	slt.u32 s9, $0xF7A;
	s5 =	simm.s32 @!p2 $0x0  }
0x1d: {  	s5 =	simm.s32 @p1 $0x1;
	p0 =	seq.s32 s7, s2  }
0x1e: {  	s7 =	smul.u32 @!p0 $0xF7A, s2;
	p2 =	seq.s32 @!p0 s5, $0x0  }
0x1f: {  	s9 =	smul.u32 $0xF7A, s1;
	s8 =	simm.s32 @!p0 $0x1BF5;
	p2 =	por !p2, p0  }
0x20: {  	[sflag:s8] =	ssyncset.s32 @!p0 $0xFFFFF086;
	s6 =	sadd.s32 @!p0 s3, s7;
	s7 =	simm.s32 @!p0 $0x108  }
0x21: {  	s3 =	sadd.s32 s3, s9;
	s6 =	sadd.s32 @!p0 $0x88, s6;
	s7 =	simm.s32 @p2 $0x1082  }
0x22: {  	[simem:s7], [sflag:s8] =	dma.local @!p0 [hbm:s6], $0xF7A  }
0x23: {  	s9 =	sor.u32 $0xD0000000, s2;
	s6 =	simm.s32 $0x108;
	_ =	swait.ge @!p0 [sflag:s8], $0x0  }
0x24: {  	s3 =	sadd.s32 $0x88, s3;
	s6 =	simm.s32 @!p1 $0x1082;
	[sflag:s4] =	ssyncset.s32 $0xFFFFF086  }
0x25: {  	[simem:s6], [sflag:s4] =	dma.local [hbm:s3], $0xF7A  }
0x26: {  	[smem:$0x3F93] =	sst s1;
	(tag) =	ssettag s2;
	_ =	strace s9  }
0x27: {  	s1 =	sld [smem:$0x3FA3]  }
0x28: {  	s2 =	sld [smem:$0x3FA4]  }
0x29: {  	s4 =	sld [smem:$0x3FA6]  }
0x2a: {  	p0 =	seq.s32 s5, $0x0;
	s5 =	sld [smem:$0x3FA7]  }
0x2b: {  	s6 =	sld [smem:$0x3FA8]  }
0x2c: {  	s7 =	sld [smem:$0x3FA9]  }
0x2d: {  	s3 =	simm.s32 $0x108;
	s8 =	sld [smem:$0x3FAA]  }
0x2e: {  	s3 =	simm.s32 @!p0 $0x1082;
	s9 =	sld [smem:$0x3FAB]  }
0x2f: {  	lr =	sadd.s32 s0, s3;
	s0 =	sld [smem:$0x3FA2]  }
0x30: {  	s3 =	sld [smem:$0x3FA5]  }
0x31: {  	[smem:$0x3FAE] =	sst s10  }
0x32: {  	s10 =	sld [smem:$0x3FAC];
	_ =	sdelay $0x3  }
0x33: {  	p0 =	seq.s32 s10, $0x1;
	s10 =	sld [smem:$0x3FAE];
	_ =	sdelay $0x3  }
0x34: {  	[smem:$0x3FAE] =	sst s10  }
0x35: {  	s10 =	sld [smem:$0x3FAD];
	_ =	sdelay $0x3  }
0x36: {  	p1 =	seq.s32 s10, $0x1;
	s10 =	sld [smem:$0x3FAE];
	_ =	sdelay $0x3  }
0x37: {  	[smem:$0x3FAE] =	sst s10  }
0x38: {  	s10 =	sld [smem:$0x3FAF]  }
0x39: {  	_ = 	snop;
	(pc) =	sbr.ind lr, $3  }
0x3a: {  	_ = 	snop  }
0x3b: {  	_ = 	snop  }
0x3c: {  	p2 =	seq.s32 s10, $0x1;
	s10 =	sld [smem:$0x3FAE]  }
0x3d: {  	_ =	shalt  }
0x3e: {  	_ =	shalt  }
0x3f: {  	_ =	shalt  }
0x40: {  	_ =	shalt  }
0x41: {  	_ =	shalt  }
0x42: {  	_ =	shalt  }
0x43: {  	_ =	shalt  }
0x44: {  	_ =	shalt  }
0x45: {  	_ =	shalt  }
0x46: {  	_ =	shalt  }
0x47: {  	_ =	shalt  }
0x48: {  	_ =	shalt  }
0x49: {  	_ =	shalt  }
0x4a: {  	_ =	shalt  }
0x4b: {  	_ =	shalt  }
0x4c: {  	_ =	shalt  }
0x4d: {  	_ =	shalt  }
0x4e: {  	_ =	shalt  }
0x4f: {  	_ =	shalt  }
0x50: {  	_ =	shalt  }
0x51: {  	_ =	shalt  }
0x52: {  	_ =	shalt  }
0x53: {  	_ =	shalt  }
0x54: {  	_ =	shalt  }
0x55: {  	_ =	shalt  }
0x56: {  	_ =	shalt  }
0x57: {  	_ =	shalt  }
0x58: {  	_ =	shalt  }
0x59: {  	_ =	shalt  }
0x5a: {  	_ =	shalt  }
0x5b: {  	_ =	shalt  }
0x5c: {  	_ =	shalt  }
0x5d: {  	_ =	shalt  }
0x5e: {  	_ =	shalt  }
0x5f: {  	_ =	shalt  }
0x60: {  	_ =	shalt  }
0x61: {  	_ =	shalt  }
0x62: {  	_ =	shalt  }
0x63: {  	_ =	shalt  }
0x64: {  	_ =	shalt  }
0x65: {  	_ =	shalt  }
0x66: {  	_ =	shalt  }
0x67: {  	_ =	shalt  }
0x68: {  	_ =	shalt  }
0x69: {  	_ =	shalt  }
0x6a: {  	_ =	shalt  }
0x6b: {  	_ =	shalt  }
0x6c: {  	_ =	shalt  }
0x6d: {  	_ =	shalt  }
0x6e: {  	_ =	shalt  }
0x6f: {  	_ =	shalt  }
0x70: {  	_ =	shalt  }
0x71: {  	_ =	shalt  }
0x72: {  	_ =	shalt  }
0x73: {  	_ =	shalt  }
0x74: {  	_ =	shalt  }
0x75: {  	_ =	shalt  }
0x76: {  	_ =	shalt  }
0x77: {  	_ =	shalt  }
0x78: {  	_ =	shalt  }
0x79: {  	_ =	shalt  }
0x7a: {  	_ =	shalt  }
0x7b: {  	_ =	shalt  }
0x7c: {  	_ =	shalt  }
0x7d: {  	_ =	shalt  }
0x7e: {  	_ =	shalt  }
0x7f: {  	_ =	shalt  }
0x80: {  	_ =	shalt  }
0x81: {  	_ =	shalt  }
0x82: {  	_ =	shalt  }
0x83: {  	_ =	shalt  }
0x84: {  	_ =	shalt  }
0x85: {  	_ =	shalt  }
0x86: {  	_ =	shalt  }
0x87: {  	_ =	shalt  }
.Lfunc_end0:
.L_simem_size_0:
called_computation_lowered:
.L_overlay_start_0:
0x88: {  	s2 =	sld [smem:$0x3FD9]  }
0x89: {  	s3 =	sld [smem:$0x3FFE];
	_ =	sdelay $0x1  }
0x8a: {  	s1 =	srdreg.scid  }
0x8b: {  	s0 =	sand.u32 $0x1, s1  }
0x8c: {  	s14 =	sshll.u32 s0, $0xA;
	s2 =	sadd.s32 s3, s2  }
0x8d: {  	s2 =	sadd.s32 s2, s14  }
0x8e: {  	[smem:$0x3FBA] =	sst s2  }
0x8f: {  	_ = 	snop  }
0x90: {  	s2 =	sld [smem:$0x3FD0];
	_ =	sdelay $0x2  }
0x91: {  	s4 =	simm.s32 $0xA;
	s5 =	simm.s32 $0x10;
	s15 =	sld [smem:$0x3FC9]  }
0x92: {  	[smem:s5], [sflag:s4] =	dma.local [hbm:s2], $0x1  }
0x93: {  	_ =	swait.eq [sflag:s4], $0x1  }
0x94: {  	[sflag:s4] =	ssyncset.done $0x0  }
0x95: {  	s16 =	sld [smem:$0x10];
	[sflag:s4] =	ssyncadd.s32 $0xFFFFFFFF  }
0x96: {  	s17 =	sld [smem:$0x14];
	(tm) =	ssettm $0x1  }
0x97: {  	s18 =	sld [smem:$0x3FFB];
	_ =	sdelay $0x3  }
0x98: {  	_ =	strace s18  }
0x99: {  	s5 =	sld [smem:$0x3FFC];
	_ =	sdelay $0x3  }
0x9a: {  	_ =	strace s5  }
0x9b: {  	s5 =	sld [smem:$0x3FFD];
	_ =	sdelay $0x3  }
0x9c: {  	_ =	strace s5  }
0x9d: {  	_ =	strace $0x8FFFFFFF  }
0x9e: {  	s19 =	sld [smem:$0x3FDB];
	_ =	sdelay $0x1  }
0x9f: {  	s6 =	simm.s32 $_scs_section_size  }
0xa0: {  	s7 =	simm.s32 $_size__tile_overlayer_lowered;
	s8 =	simm.s32 $_tile_overlayer_lowered  }
0xa1: {  	s22 =	simm.s32 $0x1BFF;
	s21 =	sshll.u32 s8, $0x1;
	s5 =	sadd.s32 s6, s19  }
0xa2: {  	s9 =	simm.s32 $0x0;
	s20 =	sshll.u32 s7, $0x1;
	s7 =	sadd.s32 s21, s5  }
0xa3: {  	[timem:s9], [sflag:s22] =	dma.local [hbm:s7], s20  }
0xa4: {  	_ =	swait.ge [sflag:s22], s20  }
0xa5: {  	s6 =	ssub.s32 $0x0, s20;
	[sflag:s22] =	ssyncset.done $0x0  }
0xa6: {  	[sflag:s22] =	ssyncadd.s32 s6;
	_ =	sdelay $0x1  }
0xa7: {  	s23 =	simm.s32 $0x1B8B  }
0xa8: {  	_ =	swait.ge [sflag:s23], $0x1  }
0xa9: {  	[sflag:s23] =	ssyncset.done $0x0  }
0xaa: {  	s25 =	simm.s32 $0x1B8E;
	s24 =	sld [smem:$0x3FFE];
	[sflag:s23] =	ssyncadd.s32 $0xFFFFFFFF  }
0xab: {  	s26 =	simm.s32 $execute0_lowered;
	[smem:$0x3FD2] =	sst s25  }
0xac: {  	s7 =	sshll.u32 s26, $0x1;
	_ =	strace $0x80000046;
	[dreg:$0x1] =	wrdreg $0xFFFFFFFF  }
0xad: {  	s28 =	simm.s32 $_size_execute0_lowered;
	s5 =	sadd.s32 s5, s7;
	[dreg:$0x0] =	wrdreg $0x0  }
0xae: {  	s7 =	sshll.u32 s28, $0x1;
	[dreg:$0x2] =	wrdreg s5  }
0xaf: {  	[dreg:$0x3] =	wrdreg s7  }
0xb0: {  	[dreg:$0x4] =	wrdreg $0xC0  }
0xb1: {  	_ =	task [dreg:s9], $0x5FFFF  }
0xb2: {  	[dreg:$0x1] =	wrdreg $0xFFFFFFFF  }
0xb3: {  	[dreg:$0x0] =	wrdreg $0x60  }
0xb4: {  	[dreg:$0x2] =	wrdreg s16  }
0xb5: {  	[dreg:$0x3] =	wrdreg s24  }
0xb6: {  	[dreg:$0x4] =	wrdreg s15  }
0xb7: {  	[dreg:$0x5] =	wrdreg s17  }
0xb8: {  	[dreg:$0x6] =	wrdreg $0x9  }
0xb9: {  	_ =	task.clear_ibuf [dreg:s9], $0x7FFFF;
	_ =	strace $0x90000046  }
0xba: {  	s29 =	simm.s32 $0x9;
	_ =	strace $0x80000048  }
0xbb: {  	_ =	swait.ge [sflag:s29], $0x1  }
0xbc: {  	[sflag:s29] =	ssyncadd.s32 $0xFFFFFFFF  }
0xbd: {  	_ =	strace $0x90000048  }
0xbe: {  	_ =	sfence  }
0xbf: {  	s30 =	sld [smem:$0x0];
	_ =	sdelay $0x2  }
0xc0: {  	s31 =	sshll.u32 s1, $0xD;
	s1 =	sshrl.u32 s1, $0x2  }
0xc1: {  	s3 =	sand.u32 $0x4000, s31;
	s1 =	sadd.s32 s1, s30  }
0xc2: {  	s0 =	sor.u32 s3, s0;
	s1 =	sshll.u32 s1, $0x11  }
0xc3: {  	s0 =	sor.u32 s1, s0  }
0xc4: {  	s0 =	sadd.s32 $0x8F2B, s0  }
0xc5: {  	[sflag:s0] =	ssyncadd.remote.s32 $0x1  }
0xc6: {  	_ =	sfence.sel $0xFFFF  }
0xc7: {  	[dreg:$0x0] =	wrdreg $0xFFFFFFFF;
	(pc) =	sbr.abs _section_cstart, $3  }
0xc8: {  	[dreg:$0x1] =	wrdreg $0xFFFFFFFF  }
0xc9: {  	_ =	task.clear_ibuf [dreg:s9], $0x2FFFF;
	_ =	strace $0x9FFFFFFF  }
0xca: {  	(tm) =	ssettm $0x7FFFFFFF  }
0xcb: {  	_ =	shalt  }
tec
execute0_lowered:
.L_overlay_start_1:
0x0: {  	(tag) =	ssettag $0x1  }
0x1: {  	s0 =	rddreg [dreg:$0x0]  }
0x2: {  	s5 =	rddreg [dreg:$0x1]  }
0x3: {  	s1 =	rddreg [dreg:$0x2]  }
0x4: {  	s3 =	rddreg [dreg:$0x3]  }
0x5: {  	s4 =	simm.s32 $0x0;
	s6 =	srdreg.scid;
	s2 =	stileid.u32  }
0x6: {  	s13 =	simm.s32 $0x2;
	s14 =	simm.s32 $0x80;
	s15 =	simm.s32 $0x4100  }
0x7: {  	s16 =	simm.s32 $0x100;
	s17 =	simm.s32 $0x900;
	s18 =	simm.s32 $0x1100  }
0x8: {  	s19 =	simm.s32 $0x1900;
	s20 =	simm.s32 $0x2100;
	s21 =	simm.s32 $0x2900  }
0x9: {  	s22 =	simm.s32 $0x3100;
	s28 =	simm.s32 $0x5900;
	s29 =	simm.s32 $0x6100  }
0xa: {  	s30 =	simm.s32 $0x6900;
	s31 =	simm.s32 $0x7100;
	[smem:$0x7FF] =	sst s4  }
0xb: {  	s6 =	sand.u32 $0x1, s6;
	s7 =	sshll.u32 s2, $0x1;
	s9 =	sadd.s32 $0x1800, s5  }
0xc: {  	s23 =	sshll.u32 s2, $0xD;
	s11 =	sadd.s32 $0x300, s3;
	_ =	strace $0x80000047  }
0xd: {  	s7 =	sor.u32 s6, s7;
	s6 =	ssub.s32 $0x2, s6;
	[dreg:$0x5] =	wrdreg s9  }
0xe: {  	s9 =	sadd.s32 $0x100, s3;
	s8 =	sshll.u32 s7, $0x4;
	s10 =	sshrl.u32 s6, $0x1  }
0xf: {  	s24 =	sshll.u32 s7, $0xB;
	s7 =	sshll.u32 s7, $0x1;
	s5 =	sadd.s32 s8, s5  }
0x10: {  	s12 =	ssub.s32 s6, s10;
	s6 =	sand.u32 $0x18000, s23;
	s8 =	sand.u32 $0x3800, s24  }
0x11: {  	s0 =	sadd.s32 s0, s7;
	s7 =	sadd.s32 $0x200, s1;
	s10 =	sadd.s32 $0x200, s3  }
0x12: {  	s23 =	simm.s32 $0x3900;
	s24 =	simm.s32 $0x1;
	s6 =	sor.u32 s6, s8  }
0x13: {  	[dreg:$0x6] =	wrdreg s0;
	s25 =	sadd.s32 $0x1600, s5;
	s5 =	sadd.s32 $0x100, s1  }
0x14: {  	v2 =	vlaneseq.u32;
	s8 =	sadd.s32 $0x300, s1;
	s12 =	smax.u32 s12, $0x1;
	s6 =	sadd.s32 s3, s6  }
0x15: {  	vm0 =	vmmov $0xffff;
	v1 =	vshrl.u32 v2, $0x3;
	s0 =	simm.s32 $0x7900;
	[dreg:$0x7] =	wrdreg s25;
	s26 =	sadd.s32 $0x4000, s6  }
0x16: {  	v0 =	vand.u32 $0x7, v2;
	v2 =	vor.u32 $0x8, v2;
	v1 =	vmul.u32 $0x8, v1;
	s25 =	simm.s32 $0x4900;
	[dreg:$0x8] =	wrdreg s26;
	s26 =	simm.s32 $0x5100  }
.LBB2_1:
0x17: {  	s2 =	rddreg [dreg:$0x6]  }
0x18: {  	[tilespmem:s4], [sflag:$0x2] =	stream.linear.gather [hbm4b:s2+s4], $0x10, $0x38;
	[tilespmem:$0x8100] =	vst v63  }
0x19: {  	_ =	swait.ge [sflag:s13], $0x10  }
0x1a: {  	[sflag:s13] =	ssyncset.done $0x0  }
0x1b: {  	s2 =	rddreg [dreg:$0x7];
	[sflag:s13] =	ssyncadd.s32 $0xFFFFFFF0  }
0x1c: {  	[tilespmem:s14], [sflag:$0x2] =	stream.linear.gather [hbm4b:s2+s4], $0x80, $0x38;
	[tilespmem:$0x8100] =	vst v63  }
0x1d: {  	_ =	swait.ge [sflag:s13], $0x80  }
0x1e: {  	[sflag:s13] =	ssyncset.done $0x0  }
0x1f: {  	s2 =	rddreg [dreg:$0x5];
	[sflag:s13] =	ssyncadd.s32 $0xFFFFFF80  }
0x20: {  	[tilespmem:s15], [sflag:$0x2] =	stream.linear.gather [hbm4b:s2+s4], $0x4000, $0x38;
	[tilespmem:$0x8100] =	vst v63  }
0x21: {  	_ =	swait.ge [sflag:s13], $0x4000  }
0x22: {  	[sflag:s13] =	ssyncset.done $0x0  }
0x23: {  	[sflag:s13] =	ssyncadd.s32 $0xFFFFC000  }
0x24: {  	v3 =	vld [tilespmem:$0x0];
	_ =	sdelay $0x4  }
0x25: {  	v4 =	vshll.u32 v3, $0x3  }
0x26: {  	v3 =	vand.u32 $0x7, v3;
	v4 =	vand.u32 $0xFFFFFFC0, v4  }
0x27: {  	v3 =	vor.u32 v3, v4  }
0x28: {  	v4 =	vperm.xlane v3, v0;
	_ =	sdelay $0x1  }
0x29: {  	v4 =	vadd.s32 v1, v4;
	_ =	sdelay $0x4  }
0x2a: {  	[tilespmem:s16], [sflag:$0x1] =	stream.indirect_vreg.gather [hbm4b:s1+s4], $0x80, v4, vm0, $0xb8;
	[tilespmem:$0x8100] =	vst v63  }
0x2b: {  	v3 =	vperm.xlane v3, v2  }
0x2c: {  	[tilespmem:s17], [sflag:$0x1] =	stream.indirect_vreg.gather [hbm4b:s5+s4], $0x80, v4, vm0, $0xb8;
	[tilespmem:$0x8100] =	vst v63  }
0x2d: {  	v3 =	vadd.s32 v1, v3  }
0x2e: {  	[tilespmem:s18], [sflag:$0x1] =	stream.indirect_vreg.gather [hbm4b:s7+s4], $0x80, v4, vm0, $0xb8;
	[tilespmem:$0x8100] =	vst v63  }
0x2f: {  	_ = 	snop  }
0x30: {  	[tilespmem:s19], [sflag:$0x1] =	stream.indirect_vreg.gather [hbm4b:s8+s4], $0x80, v4, vm0, $0xb8;
	[tilespmem:$0x8100] =	vst v63  }
0x31: {  	_ = 	snop  }
0x32: {  	[tilespmem:s20], [sflag:$0x1] =	stream.indirect_vreg.gather [hbm4b:s1+s4], $0x80, v3, vm0, $0xb8;
	[tilespmem:$0x8100] =	vst v63  }
0x33: {  	_ = 	snop  }
0x34: {  	[tilespmem:s21], [sflag:$0x1] =	stream.indirect_vreg.gather [hbm4b:s5+s4], $0x80, v3, vm0, $0xb8;
	[tilespmem:$0x8100] =	vst v63  }
0x35: {  	_ = 	snop  }
0x36: {  	[tilespmem:s22], [sflag:$0x1] =	stream.indirect_vreg.gather [hbm4b:s7+s4], $0x80, v3, vm0, $0xb8;
	[tilespmem:$0x8100] =	vst v63  }
0x37: {  	_ = 	snop  }
0x38: {  	[tilespmem:s23], [sflag:$0x1] =	stream.indirect_vreg.gather [hbm4b:s8+s4], $0x80, v3, vm0, $0xb8;
	[tilespmem:$0x8100] =	vst v63  }
0x39: {  	_ =	swait.ge [sflag:s24], $0x4000  }
0x3a: {  	[sflag:s24] =	ssyncset.done $0x0  }
0x3b: {  	[sflag:s24] =	ssyncadd.s32 $0xFFFFC000  }
0x3c: {  	[hbm4b:s6+s4] =	stream.linear.scatter [tilespmem:s16], [sflag:$0x2], $0x4000, $0x38;
	[tilespmem:$0x8100] =	vst v63  }
0x3d: {  	_ =	swait.ge [sflag:s13], $0x4000  }
0x3e: {  	[sflag:s13] =	ssyncset.done $0x0  }
0x3f: {  	s2 =	rddreg [dreg:$0x8];
	[sflag:s13] =	ssyncadd.s32 $0xFFFFC000  }
0x40: {  	[hbm4b:s2+s4] =	stream.linear.scatter [tilespmem:s15], [sflag:$0x2], $0x4000, $0x38;
	[tilespmem:$0x8100] =	vst v63  }
0x41: {  	_ =	swait.ge [sflag:s13], $0x4000  }
0x42: {  	[sflag:s13] =	ssyncset.done $0x0  }
0x43: {  	[sflag:s13] =	ssyncadd.s32 $0xFFFFC000  }
0x44: {  	v3 =	vld [tilespmem:$0x80];
	_ =	sdelay $0x4  }
0x45: {  	v63 =	vshll.u32 v3, $0x3  }
0x46: {  	v3 =	vand.u32 $0x7, v3;
	v4 =	vand.u32 $0xFFFFFFC0, v63  }
0x47: {  	v3 =	vor.u32 v3, v4  }
0x48: {  	v4 =	vperm.xlane v3, v0;
	_ =	sdelay $0x1  }
0x49: {  	v4 =	vadd.s32 v1, v4;
	_ =	sdelay $0x4  }
0x4a: {  	[hbm4b:s3+s4] =	stream.indirect_vreg.scatter [tilespmem:s15], [sflag:$0x1], $0x80, v4, vm0, $0xb8;
	[tilespmem:$0x8100] =	vst v63  }
0x4b: {  	v3 =	vperm.xlane v3, v2  }
0x4c: {  	[hbm4b:s9+s4] =	stream.indirect_vreg.scatter [tilespmem:s25], [sflag:$0x1], $0x80, v4, vm0, $0xb8;
	[tilespmem:$0x8100] =	vst v63  }
0x4d: {  	v3 =	vadd.s32 v1, v3  }
0x4e: {  	[hbm4b:s10+s4] =	stream.indirect_vreg.scatter [tilespmem:s26], [sflag:$0x1], $0x80, v4, vm0, $0xb8;
	[tilespmem:$0x8100] =	vst v63  }
0x4f: {  	_ = 	snop  }
0x50: {  	[hbm4b:s11+s4] =	stream.indirect_vreg.scatter [tilespmem:s28], [sflag:$0x1], $0x80, v4, vm0, $0xb8;
	[tilespmem:$0x8100] =	vst v63  }
0x51: {  	_ = 	snop  }
0x52: {  	[hbm4b:s3+s4] =	stream.indirect_vreg.scatter [tilespmem:s29], [sflag:$0x1], $0x80, v3, vm0, $0xb8;
	[tilespmem:$0x8100] =	vst v63  }
0x53: {  	_ = 	snop  }
0x54: {  	[hbm4b:s9+s4] =	stream.indirect_vreg.scatter [tilespmem:s30], [sflag:$0x1], $0x80, v3, vm0, $0xb8;
	[tilespmem:$0x8100] =	vst v63  }
0x55: {  	p0 =	sne.s32 s12, $0x1  }
0x56: {  	[hbm4b:s10+s4] =	stream.indirect_vreg.scatter [tilespmem:s31], [sflag:$0x1], $0x80, v3, vm0, $0xb8;
	[tilespmem:$0x8100] =	vst v63  }
.Ltmp0:
0x57: {  	_ = 	snop;
	(pc) =	sbr.rel @p0 .LBB2_1-.Ltmp0, $4  }
0x58: {  	[hbm4b:s11+s4] =	stream.indirect_vreg.scatter [tilespmem:s0], [sflag:$0x1], $0x80, v3, vm0, $0xb8;
	[tilespmem:$0x8100] =	vst v63  }
0x59: {  	_ =	swait.ge [sflag:s24], $0x4000  }
0x5a: {  	[sflag:s24] =	ssyncset.done $0x0  }
0x5b: {  	s12 =	sadd.s32 $0xFFFFFFFF, s12;
	[sflag:s24] =	ssyncadd.s32 $0xFFFFC000  }
0x5c: {  	_ =	sfence.sel $0x180000  }
0x5d: {  	[bflag:$0x0] =	sbarrier.arrive $0xFFFF  }
0x5e: {  	_ =	strace $0x90000047  }
0x5f: {  	s0 =	stileid.u32;
	[bflag:$0x2] =	sbarrier.arrive $0xFFFF  }
0x60: {  	p0 =	sne.s32 s0, $0x0;
	s0 =	rddreg [dreg:$0x4]  }
0x61: {  	s0 =	sadd.s32 @!p0 $0x100000, s0  }
0x62: {  	[sflag:s0] =	ssyncadd.tile.s32 @!p0 $0x1;
	_ =	shalt  }
.Lfunc_end2:
_tile_overlayer_lowered:
.L_overlay_start_2:
0x63: {  	(tag) =	ssettag $0x2  }
0x64: {  	s0 =	rddreg [dreg:$0x0];
	s2 =	stileid.u32  }
0x65: {  	s1 =	rddreg [dreg:$0x1];
	p0 =	sne.s32 s2, $0x0  }
0x66: {  	s3 =	rddreg [dreg:$0x2];
	[bflag:$0x3] =	sbarrier.arrive $0xFFFF;
	s2 =	simm.s32 @!p0 $0x1C02  }
0x67: {  	[timem:s3], [sflag:s2] =	dma.local @!p0 [hbm:s0], s1  }
0x68: {  	s0 =	simm.s32 @!p0 $0x2  }
0x69: {  	_ =	swait.ge @!p0 [sflag:s0], s1  }
0x6a: {  	s1 =	ssub.s32 @!p0 $0x0, s1;
	[sflag:s0] =	ssyncset.done @!p0 $0x0  }
0x6b: {  	[sflag:s0] =	ssyncadd.s32 @!p0 s1  }
0x6c: {  	[bflag:$0x3] =	sbarrier.arrive $0xFFFF  }
0x6d: {  	_ =	shalt  }

</sc_bundles>
